<compile_context>
chip_gen: v7x
topology: tpu7x:2x2x1
jax: 0.10.2.dev20260603
libtpu: 0.0.44.dev20260713+nightly
codegen_flags: <defaults>
</compile_context>

<pallas_src>
import functools

import jax
import jax.numpy as jnp
from jax import lax
from jax.experimental import pallas as pl
from jax.experimental.pallas import tpu as pltpu
from jax.experimental.pallas import tpu_sc as plsc

L = 8192
NE = 8
EX = 400
T = NE * EX
GL = 7400
LJ55 = 7 * EX - 55
ALPHA = 0.5
BETA = 0.5
GAMMA = 0.6
LN2 = 0.6931471805599453
NEG = float("-inf")
BIG = 1 << 30


def _scband_body(donor_h, acceptor_h, tss_h, polya_h, start_h, stop_h,
                 frame_h, wv_h, out_h,
                 stg, fr, sle, win7, wsa, wsb, blk, tmp, row, ob, shared,
                 sem_a):
    s = lax.axis_index("s")
    iota = lax.iota(jnp.int32, 16)
    f32 = jnp.float32
    i32 = jnp.int32

    def take16(v, idx):
        tmp[...] = v
        return plsc.load_gather(tmp, [idx])

    def take16i(v, idx):
        return plsc.bitcast(take16(plsc.bitcast(v, f32), idx), i32)

    def lane_scalar(vec, i):
        return jnp.sum(jnp.where(iota == i, vec, 0.0))

    @pl.when(s == 0)
    def _():
        pltpu.async_copy(stop_h.at[pl.ds(0, GL)], stg, sem_a)

        def stage_fr(e, carry):
            pltpu.async_copy(frame_h.at[pl.ds(3000 * e, 3 * EX)],
                             fr.at[pl.ds(3 * EX * e, 3 * EX)], sem_a)
            return carry

        lax.fori_loop(0, NE, stage_fr, 0)

    @pl.when((s >= 1) & (s <= 8))
    def _():
        gbase = 1000 * s - 1000
        pltpu.sync_copy(start_h.at[pl.ds(gbase, EX)], sle)

        def scan1(j, carry):
            av, ai = carry
            v = sle[pl.ds(j * 16, 16)]
            i = j * 16 + iota
            upd = v > av
            return jnp.where(upd, v, av), jnp.where(upd, i, ai)

        av, ai = lax.fori_loop(0, 25, scan1,
                               (jnp.full((16,), NEG, f32),
                                jnp.zeros((16,), i32)))
        tbase = EX * s - EX

        def extract(k, carry):
            av, ai, rv, riv = carry
            mv = jnp.max(av)
            istar = jnp.min(jnp.where(av == mv, ai, i32(BIG)))
            rv = jnp.where(iota == k, mv, rv)
            riv = jnp.where(iota == 5 + k, tbase + istar, riv)
            lane = lax.rem(istar, 16)
            plsc.store_scatter(sle, [jnp.full((16,), istar, i32)],
                               jnp.full((16,), NEG, f32),
                               mask=iota == 0)
            cidx1 = 16 + iota
            ok1 = cidx1 < 25
            vv0 = plsc.load_gather(sle, [iota * 16 + lane])
            vv1 = plsc.load_gather(
                sle, [jnp.where(ok1, cidx1, 24) * 16 + lane])
            vv1 = jnp.where(ok1, vv1, NEG)
            u = vv1 > vv0
            bv = jnp.where(u, vv1, vv0)
            bc = jnp.where(u, cidx1, iota)
            mc = jnp.max(bv)
            cstar = jnp.min(jnp.where(bv == mc, bc, i32(BIG)))
            lm = iota == lane
            av = jnp.where(lm, mc, av)
            ai = jnp.where(lm, cstar * 16 + lane, ai)
            return av, ai, rv, riv

        _, _, rv, riv = lax.fori_loop(
            0, 5, extract,
            (av, ai, jnp.zeros((16,), f32), jnp.zeros((16,), i32)))
        row[...] = jnp.where(iota < 5, rv, plsc.bitcast(riv, f32))
        pltpu.sync_copy(row, shared.at[pl.ds(16 * s - 16, 16)])

    for sub, src_h, bases in ((9, donor_h, [1000 * e + 392 for e in range(7)]),
                              (10, acceptor_h,
                               [1000 * e - 8 for e in range(1, 8)])):
        @pl.when(s == sub)
        def _(src_h=src_h, bases=bases, sub=sub):
            b0_ = bases[0]

            def stage_w(i, carry):
                pltpu.async_copy(src_h.at[pl.ds(b0_ + 1000 * i, 16)],
                                 win7.at[pl.ds(16 * i, 16)], sem_a)
                return carry

            lax.fori_loop(0, 7, stage_w, 0)
            pltpu.make_async_copy(src_h.at[pl.ds(0, 112)], win7, sem_a).wait()
            lane7 = jnp.minimum(iota, 6) * 16

            def wmax(w, pk):
                return jnp.maximum(
                    pk, plsc.load_gather(win7, [lane7 + 6 + w]))

            pk = lax.fori_loop(0, 5, wmax, jnp.full((16,), NEG, f32))
            row[...] = jnp.where(iota <= 6, pk, 0.0)
            pltpu.sync_copy(row, shared.at[pl.ds(128 + 16 * (sub - 9), 16)])

    @pl.when(s == 11)
    def _():
        c1 = pltpu.async_copy(tss_h.at[pl.ds(0, 16)], wsa, sem_a)
        c2 = pltpu.async_copy(polya_h.at[pl.ds(7392, 16)], wsb, sem_a)
        c3 = pltpu.async_copy(wv_h, win7.at[pl.ds(0, 16)], sem_a)
        c1.wait()
        c2.wait()
        c3.wait()
        m_tss = jnp.max(jnp.where(iota <= 2, wsa[...], NEG))
        m_pa = jnp.max(jnp.where((iota >= 5) & (iota <= 9), wsb[...], NEG))
        wshift = take16(win7[pl.ds(0, 16)], jnp.clip(iota - 4, 0, 15))
        rowv = jnp.where(iota == 0, m_tss,
                         jnp.where(iota == 1, m_pa,
                                   jnp.where((iota >= 4) & (iota <= 7),
                                             wshift, 0.0)))
        row[...] = rowv
        pltpu.sync_copy(row, shared.at[pl.ds(160, 16)])

    plsc.subcore_barrier()

    @pl.when(s == 0)
    def _():
        pltpu.make_async_copy(stop_h.at[pl.ds(0, GL)], stg, sem_a).wait()
        pltpu.make_async_copy(frame_h.at[pl.ds(0, 3 * T)], fr, sem_a).wait()
        pltpu.sync_copy(shared, blk)

        sk = []
        sv = []
        for gi in range(3):
            j = gi * 16 + iota
            e = lax.shift_right_logical(j * 6554, 15)
            r = j - 5 * e
            okj = j < 40
            fv = jnp.where(okj, 16 * e + r, 0)
            fi = jnp.where(okj, 16 * e + 5 + r, 5)
            va = jnp.where(okj, plsc.load_gather(blk, [fv]), NEG)
            vi = plsc.bitcast(plsc.load_gather(blk, [fi]), i32)
            a, b = plsc.sort_key_val(va, vi, descending=True)
            sk.append(a)
            sv.append(b)
        il = jnp.clip(iota - 5, 0, 15)
        il2 = jnp.clip(iota - 10, 0, 15)
        combo_v = jnp.where(iota < 5, take16(sk[0], iota),
                            jnp.where(iota < 10, take16(sk[1], il),
                                      take16(sk[2], il2)))
        combo_i = jnp.where(iota < 5, take16i(sv[0], iota),
                            jnp.where(iota < 10, take16i(sv[1], il),
                                      take16i(sv[2], il2)))
        mk, mi = plsc.sort_key_val(combo_v, combo_i, descending=True)

        ci = iota // 3
        off = iota - ci * 3
        slog = take16(mk, ci)
        sidx = take16i(mi, ci)
        s_prob = 1.0 / (1.0 + jnp.exp(-slog))

        zi = jnp.zeros((16,), i32)
        zf = jnp.zeros((16,), f32)
        init = (sidx + off, (iota < 15).astype(i32), zi, zf, zf, zi, zf)

        def cond(carry):
            return jnp.any(carry[1] != 0)

        def body(carry):
            t, act, fnd, asum, acnt, tst, sst = carry
            valid = (act != 0) & (t < T)
            tc = jnp.minimum(t, T - 1)
            g = tc + 600 * lax.shift_right_logical(tc * 1311, 19)
            stl = plsc.load_gather(stg, [g])
            stopf = valid & (stl > 0.0)
            b0 = tc * 3
            l0 = plsc.load_gather(fr, [b0])
            l1 = plsc.load_gather(fr, [b0 + 1])
            l2 = plsc.load_gather(fr, [b0 + 2])
            mx = jnp.maximum(jnp.maximum(l0, l1), l2)
            e0 = jnp.exp(l0 - mx)
            e1 = jnp.exp(l1 - mx)
            e2 = jnp.exp(l2 - mx)
            pf = jnp.where(off == 0, e0,
                           jnp.where(off == 1, e1, e2)) / (e0 + e1 + e2)
            asum = jnp.where(valid, asum + pf, asum)
            acnt = jnp.where(valid, acnt + 1.0, acnt)
            tst = jnp.where(stopf, t, tst)
            sst = jnp.where(stopf, stl, sst)
            fnd = jnp.where(stopf, 1, fnd)
            act = (valid & ~stopf).astype(i32)
            return (t + 3, act, fnd, asum, acnt, tst, sst)

        _, _, fnd, asum, acnt, tst, sst = lax.while_loop(cond, body, init)

        mean_fp = asum / jnp.maximum(acnt, 1.0)
        stop_p = 1.0 / (1.0 + jnp.exp(-sst))
        scs = ALPHA * s_prob + BETA * mean_fp + ALPHA * stop_p
        scs = jnp.where(tst < LJ55, scs - GAMMA, scs)
        score = jnp.where(fnd != 0, scs, ALPHA * s_prob - GAMMA)
        score = jnp.where(iota < 15, score, NEG)
        s_orf = jnp.maximum(jnp.max(score), 0.0)

        pidx = jnp.where(iota <= 6, 128 + iota,
                         jnp.where(iota <= 13, 137 + iota,
                                   jnp.where(iota == 14, 160, 161)))
        pk = plsc.load_gather(blk, [pidx])
        x = 1.0 / (1.0 + jnp.exp(-pk)) + 1e-9
        bits = plsc.bitcast(x, i32)
        y = (bits.astype(f32) * jnp.float32(2.0 ** -23) - 127.04505) * LN2
        y = lax.fori_loop(0, 4, lambda _, yy: yy + x * jnp.exp(-yy) - 1.0, y)

        wrow = blk[pl.ds(160, 16)]
        s_spl = jnp.sum(jnp.where(iota < 14, y, 0.0)) * (1.0 / 14.0)
        s_tss = lane_scalar(y, 14)
        s_pa = lane_scalar(y, 15)
        total = (lane_scalar(wrow, 4) * s_spl + lane_scalar(wrow, 5) * s_tss
                 + lane_scalar(wrow, 6) * s_pa + lane_scalar(wrow, 7) * s_orf)
        ob[...] = jnp.zeros((16,), f32) + total
        pltpu.sync_copy(ob, out_h)


@jax.jit
def _scband_run(donor, acceptor, tss, polya, start, stop, frame_flat, wvec):
    mesh = plsc.VectorSubcoreMesh(core_axis_name="c", subcore_axis_name="s",
                                  num_cores=1)
    f32 = jnp.float32
    fn = functools.partial(
        pl.kernel,
        mesh=mesh,
        compiler_params=pltpu.CompilerParams(needs_layout_passes=False,
                                             skip_device_barrier=True),
        out_type=jax.ShapeDtypeStruct((16,), f32),
        scratch_types=[
            pltpu.VMEM((GL,), f32),
            pltpu.VMEM((3 * T,), f32),
            pltpu.VMEM((EX,), f32),
            pltpu.VMEM((112,), f32),
            pltpu.VMEM((16,), f32),
            pltpu.VMEM((16,), f32),
            pltpu.VMEM((256,), f32),
            pltpu.VMEM((16,), f32),
            pltpu.VMEM((16,), f32),
            pltpu.VMEM((16,), f32),
            pltpu.VMEM_SHARED((256,), f32),
            pltpu.SemaphoreType.DMA,
        ],
    )(_scband_body)
    return fn(donor, acceptor, tss, polya, start, stop, frame_flat, wvec)


def kernel(donor_logits, acceptor_logits, tss_logits, polya_logits,
           orf_start_logits, orf_stop_logits, orf_frame_logits,
           w_spl, w_tss, w_pa, w_orf, w_len, exon_starts, exon_ends):
    frame_flat = orf_frame_logits.reshape(-1)
    wvec = jnp.concatenate([
        jnp.stack([w_spl, w_tss, w_pa, w_orf]).astype(jnp.float32),
        jnp.zeros((12,), jnp.float32)])
    out = _scband_run(donor_logits, acceptor_logits, tss_logits,
                      polya_logits, orf_start_logits, orf_stop_logits,
                      frame_flat, wvec)
    return out[0]

# --- scband reference (transcript-rebuilt; emitter-appended) ---
"""Pipeline reference for scband-isoform-scorer-55224689492223 (READ-ONLY COPY).

The authoritative reference and input builder live on the scoring server;
editing this copy changes nothing except your own understanding.
"""

import jax, jax.numpy as jnp
import numpy as np

L = 8192
N_EXONS = 8
EXON_LEN = 400
WINDOW = 2
TOP_K = 5
ORF_ALPHA = 0.5
ORF_BETA = 0.5
ORF_GAMMA = 0.6


def _log_sigmoid(x):
    return jnp.log(jax.nn.sigmoid(x) + 1e-9)


def _peak_log_prob(logits, index, window=WINDOW):
    n = logits.shape[0]
    pos = index + jnp.arange(-window, window + 1)
    valid = (pos >= 0) & (pos < n)
    vals = _log_sigmoid(jnp.take(logits, jnp.clip(pos, 0, n - 1)))
    return jnp.max(jnp.where(valid, vals, -jnp.inf))


def _forward(donor_logits, acceptor_logits, tss_logits, polya_logits,
             orf_start_logits, orf_stop_logits, orf_frame_logits,
             w_spl, w_tss, w_pa, w_orf, w_len, exon_starts, exon_ends):
    exon_starts = jnp.asarray(exon_starts)
    exon_ends = jnp.asarray(exon_ends)
    n = int(exon_starts.shape[0])
    # splice score: peak log-prob in window around each donor/acceptor site ('+' strand)
    donor_peaks = [_peak_log_prob(donor_logits, exon_ends[i]) for i in range(n - 1)]
    acceptor_peaks = [_peak_log_prob(acceptor_logits, exon_starts[i]) for i in range(1, n)]
    s_spl = (jnp.sum(jnp.stack(donor_peaks)) + jnp.sum(jnp.stack(acceptor_peaks))) / (2.0 * (n - 1))
    s_tss = _peak_log_prob(tss_logits, exon_starts[0])
    s_pa = _peak_log_prob(polya_logits, exon_ends[-1] - 1)
    s_len = -0.5 if (n < 2 or n > 20) else 0.0
    # ORF score via head outputs (use_orf_head=True path)
    tx_to_gen_j = (exon_starts[:, None] + jnp.arange(EXON_LEN)[None, :]).reshape(-1)
    T = n * EXON_LEN
    exonic_start_logits = jnp.take(orf_start_logits, tx_to_gen_j)
    k = min(TOP_K, T)
    cand_probs, cand_idx = jax.lax.top_k(jax.nn.sigmoid(exonic_start_logits), k)
    frame_probs = jax.nn.softmax(orf_frame_logits, axis=-1)
    stop_probs = jax.nn.sigmoid(orf_stop_logits)
    M = T // 3 + 1
    last_junction = jnp.sum(exon_ends[:-1] - exon_starts[:-1])
    scores = []
    for ci in range(k):
        s_prob = cand_probs[ci]
        s_idx = cand_idx[ci]
        for off in range(3):
            tx_pos = s_idx + off + 3 * jnp.arange(M)
            valid = tx_pos < T
            tx_clip = jnp.clip(tx_pos, 0, T - 1)
            gen = jnp.take(tx_to_gen_j, tx_clip)
            cur_frame = jnp.mod(tx_pos - s_idx, 3)
            fp = frame_probs[gen, cur_frame]
            sp = jnp.take(stop_probs, gen)
            stop_flag = (sp > 0.5) & valid
            found = jnp.any(stop_flag)
            first = jnp.argmax(stop_flag)
            mask = ((jnp.arange(M) <= first) & valid).astype(jnp.float32)
            mean_fp = jnp.sum(fp * mask) / jnp.maximum(jnp.sum(mask), 1.0)
            stop_p = jnp.take(sp, first)
            score_stop = ORF_ALPHA * s_prob + ORF_BETA * mean_fp + ORF_ALPHA * stop_p
            tx_stop = jnp.take(tx_pos, first)
            score_stop = jnp.where(tx_stop < last_junction - 55, score_stop - ORF_GAMMA, score_stop)
            score_nostop = ORF_ALPHA * s_prob - ORF_GAMMA
            scores.append(jnp.where(found, score_stop, score_nostop))
    best = jnp.max(jnp.stack(scores))
    s_orf = jnp.maximum(jnp.asarray(0.0, jnp.float32), best)
    total = (w_spl * s_spl + w_tss * s_tss + w_pa * s_pa
             + w_orf * s_orf + w_len * jnp.asarray(s_len, jnp.float32))
    return total


def setup_inputs(seed: int = 0):
    key = jax.random.key(seed)
    ks = jax.random.split(key, 7)
    exon_starts = np.arange(N_EXONS, dtype=np.int64) * 1000
    exon_ends = exon_starts + EXON_LEN
    return {
        "donor_logits": jax.random.normal(ks[0], (L,), jnp.float32),
        "acceptor_logits": jax.random.normal(ks[1], (L,), jnp.float32),
        "tss_logits": jax.random.normal(ks[2], (L,), jnp.float32),
        "polya_logits": jax.random.normal(ks[3], (L,), jnp.float32),
        "orf_start_logits": jax.random.normal(ks[4], (L,), jnp.float32),
        "orf_stop_logits": jax.random.normal(ks[5], (L,), jnp.float32),
        "orf_frame_logits": jax.random.normal(ks[6], (L, 3), jnp.float32),
        "w_spl": jnp.asarray(1.0, jnp.float32),
        "w_tss": jnp.asarray(0.4, jnp.float32),
        "w_pa": jnp.asarray(0.4, jnp.float32),
        "w_orf": jnp.asarray(0.8, jnp.float32),
        "w_len": jnp.asarray(0.1, jnp.float32),
        "exon_starts": exon_starts,
        "exon_ends": exon_ends,
    }


def reference(donor_logits, acceptor_logits, tss_logits, polya_logits,
              orf_start_logits, orf_stop_logits, orf_frame_logits,
              w_spl, w_tss, w_pa, w_orf, w_len, exon_starts, exon_ends):
    return _forward(donor_logits, acceptor_logits, tss_logits, polya_logits,
                    orf_start_logits, orf_stop_logits, orf_frame_logits,
                    w_spl, w_tss, w_pa, w_orf, w_len, exon_starts, exon_ends)

if __name__ == "__main__":
    import jax
    _d = setup_inputs()
    print(jax.jit(kernel)(*tuple(_d.values())))

</pallas_src>

<mosaic_0001>
#map = affine_map<(d0, d1) -> (0)>
module attributes {stable_mosaic.version = 14 : i64} {
  func.func @_scband_body(%arg0: i32, %arg1: i32, %arg2: memref<8192xf32, #tpu.memory_space<hbm>>, %arg3: memref<8192xf32, #tpu.memory_space<hbm>>, %arg4: memref<8192xf32, #tpu.memory_space<hbm>>, %arg5: memref<8192xf32, #tpu.memory_space<hbm>>, %arg6: memref<8192xf32, #tpu.memory_space<hbm>>, %arg7: memref<8192xf32, #tpu.memory_space<hbm>>, %arg8: memref<24576xf32, #tpu.memory_space<hbm>>, %arg9: memref<16xf32, #tpu.memory_space<hbm>>, %arg10: memref<16xf32, #tpu.memory_space<hbm>>, %arg11: memref<7400xf32, #tpu.memory_space<vmem>>, %arg12: memref<9600xf32, #tpu.memory_space<vmem>>, %arg13: memref<400xf32, #tpu.memory_space<vmem>>, %arg14: memref<112xf32, #tpu.memory_space<vmem>>, %arg15: memref<16xf32, #tpu.memory_space<vmem>>, %arg16: memref<16xf32, #tpu.memory_space<vmem>>, %arg17: memref<256xf32, #tpu.memory_space<vmem>>, %arg18: memref<16xf32, #tpu.memory_space<vmem>>, %arg19: memref<16xf32, #tpu.memory_space<vmem>>, %arg20: memref<16xf32, #tpu.memory_space<vmem>>, %arg21: memref<256xf32, #tpu.memory_space<vmem_shared>>, %arg22: memref<!tpu.dma_semaphore, #tpu.memory_space<semaphore_mem>>) attributes {dimension_semantics = [#tpu.dimension_semantics<core_parallel>, #tpu.dimension_semantics<subcore_parallel>], iteration_bounds = array<i64: 1, 16>, scalar_prefetch = 0 : i64, scratch_operands = 12 : i64, tpu.core_type = #tpu.core_type<sc_vector_subcore>, window_params = [{transform_indices = #map}, {transform_indices = #map}, {transform_indices = #map}, {transform_indices = #map}, {transform_indices = #map}, {transform_indices = #map}, {transform_indices = #map}, {transform_indices = #map}, {transform_indices = #map}]} {
    %iota3A = tpu.iota {dimensions = array<i32: 0>} : vector<16xi32>
    %eq3A = arith.constant 0 : i32
    %eq3A_0 = arith.cmpi eq, %arg1, %eq3A : i32
    %convert_element_type3A = arith.extui %eq3A_0 : i1 to i32
    %cond3A = arith.constant 0 : i32
    %cond3A_1 = arith.cmpi ne, %convert_element_type3A, %cond3A : i32
    scf.if %cond3A_1 {
      %dma_start3A = arith.constant 0 : i32
      %dma_start3A_27 = tpu.memref_slice %arg7[%dma_start3A] : memref<8192xf32, #tpu.memory_space<hbm>> -> memref<7400xf32, #tpu.memory_space<hbm>>
      %dma_start3A_28 = arith.constant 0 : i32
      %dma_start3A_29 = tpu.memref_slice %arg7[%dma_start3A_28] : memref<8192xf32, #tpu.memory_space<hbm>> -> memref<7400xf32, #tpu.memory_space<hbm>>
      tpu.enqueue_dma source(%dma_start3A_29 : memref<7400xf32, #tpu.memory_space<hbm>>) target(%arg11 : memref<7400xf32, #tpu.memory_space<vmem>>) target_semaphore(%arg22 : memref<!tpu.dma_semaphore, #tpu.memory_space<semaphore_mem>>)
      %scan3A = arith.constant 0 : i32
      %scan3A_30 = arith.constant 0 : i32
      %scan3A_31 = arith.constant 8 : i32
      %scan3A_32 = arith.addi %scan3A_30, %scan3A_31 : i32
      %scan3A_33 = arith.constant 1 : i32
      scf.for %scan3A_35 = %scan3A_30 to %scan3A_32 step %scan3A_33  : i32 {
        %mul3A = arith.constant 3000 : i32
        %mul3A_36 = arith.muli %mul3A, %scan3A_35 : i32
        %mul3A_37 = arith.constant 1200 : i32
        %mul3A_38 = arith.muli %mul3A_37, %scan3A_35 : i32
        %dma_start3A_39 = tpu.memref_slice %arg12[%mul3A_38] : memref<9600xf32, #tpu.memory_space<vmem>> -> memref<1200xf32, #tpu.memory_space<vmem>>
        %dma_start3A_40 = tpu.memref_slice %arg8[%mul3A_36] : memref<24576xf32, #tpu.memory_space<hbm>> -> memref<1200xf32, #tpu.memory_space<hbm>>
        %dma_start3A_41 = tpu.memref_slice %arg12[%mul3A_38] : memref<9600xf32, #tpu.memory_space<vmem>> -> memref<1200xf32, #tpu.memory_space<vmem>>
        %dma_start3A_42 = tpu.memref_slice %arg8[%mul3A_36] : memref<24576xf32, #tpu.memory_space<hbm>> -> memref<1200xf32, #tpu.memory_space<hbm>>
        tpu.enqueue_dma source(%dma_start3A_42 : memref<1200xf32, #tpu.memory_space<hbm>>) target(%dma_start3A_41 : memref<1200xf32, #tpu.memory_space<vmem>>) target_semaphore(%arg22 : memref<!tpu.dma_semaphore, #tpu.memory_space<semaphore_mem>>)
      }
      %scan3A_34 = arith.constant 8 : i32
    } else {
    }
    %ge3A = arith.constant 1 : i32
    %ge3A_2 = arith.cmpi sge, %arg1, %ge3A : i32
    %le3A = arith.constant 8 : i32
    %le3A_3 = arith.cmpi sle, %arg1, %le3A : i32
    %and3A = arith.andi %ge3A_2, %le3A_3 : i1
    %convert_element_type3A_4 = arith.extui %and3A : i1 to i32
    %cond3A_5 = arith.constant 0 : i32
    %cond3A_6 = arith.cmpi ne, %convert_element_type3A_4, %cond3A_5 : i32
    scf.if %cond3A_6 {
      %mul3A = arith.constant 1000 : i32
      %mul3A_27 = arith.muli %mul3A, %arg1 : i32
      %sub3A = arith.constant 1000 : i32
      %sub3A_28 = arith.subi %mul3A_27, %sub3A : i32
      "tpu.region"() ({
        %run_scoped3A = tpu.sem_alloc : memref<!tpu.dma_semaphore, #tpu.memory_space<semaphore_mem>>
        %dma_start3A = tpu.memref_slice %arg6[%sub3A_28] : memref<8192xf32, #tpu.memory_space<hbm>> -> memref<400xf32, #tpu.memory_space<hbm>>
        %dma_start3A_58 = tpu.memref_slice %arg6[%sub3A_28] : memref<8192xf32, #tpu.memory_space<hbm>> -> memref<400xf32, #tpu.memory_space<hbm>>
        tpu.enqueue_dma source(%dma_start3A_58 : memref<400xf32, #tpu.memory_space<hbm>>) target(%arg13 : memref<400xf32, #tpu.memory_space<vmem>>) target_semaphore(%run_scoped3A : memref<!tpu.dma_semaphore, #tpu.memory_space<semaphore_mem>>)
        %dma_wait3A = tpu.memref_slice %arg6[%sub3A_28] : memref<8192xf32, #tpu.memory_space<hbm>> -> memref<400xf32, #tpu.memory_space<hbm>>
        %dma_wait3A_59 = tpu.memref_slice %arg6[%sub3A_28] : memref<8192xf32, #tpu.memory_space<hbm>> -> memref<400xf32, #tpu.memory_space<hbm>>
        tpu.wait_dma2 semaphore(%run_scoped3A : memref<!tpu.dma_semaphore, #tpu.memory_space<semaphore_mem>>) src(%dma_wait3A_59 : memref<400xf32, #tpu.memory_space<hbm>>) dst(%arg13 : memref<400xf32, #tpu.memory_space<vmem>>)
        tpu.yield
      }) : () -> ()
      %broadcast_in_dim3A = arith.constant 0xFF800000 : f32
      %broadcast_in_dim3A_29 = vector.broadcast %broadcast_in_dim3A : f32 to vector<16xf32>
      %broadcast_in_dim3A_30 = arith.constant 0 : i32
      %broadcast_in_dim3A_31 = vector.broadcast %broadcast_in_dim3A_30 : i32 to vector<16xi32>
      %scan3A = arith.constant 0 : i32
      %scan3A_32 = arith.constant 25 : i32
      %scan3A_33 = arith.addi %scan3A, %scan3A_32 : i32
      %scan3A_34 = arith.constant 1 : i32
      %scan3A_35:2 = scf.for %scan3A_58 = %scan3A to %scan3A_33 step %scan3A_34 iter_args(%scan3A_59 = %broadcast_in_dim3A_29, %scan3A_60 = %broadcast_in_dim3A_31) -> (vector<16xf32>, vector<16xi32>)  : i32 {
        %mul3A_61 = arith.constant 16 : i32
        %mul3A_62 = arith.muli %scan3A_58, %mul3A_61 : i32
        %get3A = arith.index_cast %mul3A_62 : i32 to index
        %get3A_63 = tpu.vector_load %arg13[%get3A] {strides = array<i32>} : memref<400xf32, #tpu.memory_space<vmem>>, vector<16xf32>,
        %mul3A_64 = arith.constant 16 : i32
        %mul3A_65 = arith.muli %scan3A_58, %mul3A_64 : i32
        %add3A = vector.broadcast %mul3A_65 : i32 to vector<16xi32>
        %add3A_66 = arith.addi %add3A, %iota3A : vector<16xi32>
        %gt3A = arith.cmpf ogt, %get3A_63, %scan3A_59 : vector<16xf32>
        %select_n3A_67 = arith.select %gt3A, %get3A_63, %scan3A_59 : vector<16xi1>, vector<16xf32>
        %select_n3A_68 = arith.select %gt3A, %add3A_66, %scan3A_60 : vector<16xi1>, vector<16xi32>
        scf.yield %select_n3A_67, %select_n3A_68 : vector<16xf32>, vector<16xi32>
      }
      %scan3A_36 = arith.constant 25 : i32
      %mul3A_37 = arith.constant 400 : i32
      %mul3A_38 = arith.muli %mul3A_37, %arg1 : i32
      %sub3A_39 = arith.constant 400 : i32
      %sub3A_40 = arith.subi %mul3A_38, %sub3A_39 : i32
      %broadcast_in_dim3A_41 = arith.constant 0.000000e+00 : f32
      %broadcast_in_dim3A_42 = vector.broadcast %broadcast_in_dim3A_41 : f32 to vector<16xf32>
      %broadcast_in_dim3A_43 = arith.constant 0 : i32
      %broadcast_in_dim3A_44 = vector.broadcast %broadcast_in_dim3A_43 : i32 to vector<16xi32>
      %scan3A_45 = arith.constant 0 : i32
      %scan3A_46 = arith.constant 5 : i32
      %scan3A_47 = arith.addi %scan3A_45, %scan3A_46 : i32
      %scan3A_48 = arith.constant 1 : i32
      %scan3A_49:4 = scf.for %scan3A_58 = %scan3A_45 to %scan3A_47 step %scan3A_48 iter_args(%scan3A_59 = %scan3A_35#0, %scan3A_60 = %scan3A_35#1, %scan3A_61 = %broadcast_in_dim3A_42, %scan3A_62 = %broadcast_in_dim3A_44) -> (vector<16xf32>, vector<16xi32>, vector<16xf32>, vector<16xi32>)  : i32 {
        %reduce_max3A = arith.constant true
        %reduce_max3A_63 = vector.broadcast %reduce_max3A : i1 to vector<16xi1>
        %reduce_max3A_64 = tpu.scan <max>, %scan3A_59 masked %reduce_max3A_63 : vector<16xf32>, vector<16xi1> -> vector<16xf32>
        %reduce_max3A_65 = vector.extract %reduce_max3A_64[15] : f32 from vector<16xf32>
        %eq3A_66 = vector.broadcast %reduce_max3A_65 : f32 to vector<16xf32>
        %eq3A_67 = arith.cmpf oeq, %scan3A_59, %eq3A_66 : vector<16xf32>
        %jit3A = arith.constant 1073741824 : i32
        %broadcast_in_dim3A_68 = vector.broadcast %jit3A : i32 to vector<16xi32>
        %select_n3A_69 = arith.select %eq3A_67, %scan3A_60, %broadcast_in_dim3A_68 : vector<16xi1>, vector<16xi32>
        %reduce_min3A = arith.constant true
        %reduce_min3A_70 = vector.broadcast %reduce_min3A : i1 to vector<16xi1>
        %reduce_min3A_71 = arith.constant -2147483648 : i32
        %reduce_min3A_72 = vector.broadcast %reduce_min3A_71 : i32 to vector<16xi32>
        %reduce_min3A_73 = arith.xori %select_n3A_69, %reduce_min3A_72 : vector<16xi32>
        %reduce_min3A_74 = tpu.scan <min>, %reduce_min3A_73 masked %reduce_min3A_70 : vector<16xi32>, vector<16xi1> -> vector<16xi32>
        %reduce_min3A_75 = arith.xori %reduce_min3A_74, %reduce_min3A_72 : vector<16xi32>
        %reduce_min3A_76 = vector.extract %reduce_min3A_75[15] : i32 from vector<16xi32>
        %eq3A_77 = vector.broadcast %scan3A_58 : i32 to vector<16xi32>
        %eq3A_78 = arith.cmpi eq, %iota3A, %eq3A_77 : vector<16xi32>
        %broadcast_in_dim3A_79 = vector.broadcast %reduce_max3A_65 : f32 to vector<16xf32>
        %select_n3A_80 = arith.select %eq3A_78, %broadcast_in_dim3A_79, %scan3A_61 : vector<16xi1>, vector<16xf32>
        %add3A = arith.constant 5 : i32
        %add3A_81 = arith.addi %add3A, %scan3A_58 : i32
        %eq3A_82 = vector.broadcast %add3A_81 : i32 to vector<16xi32>
        %eq3A_83 = arith.cmpi eq, %iota3A, %eq3A_82 : vector<16xi32>
        %add3A_84 = arith.addi %sub3A_40, %reduce_min3A_76 : i32
        %broadcast_in_dim3A_85 = vector.broadcast %add3A_84 : i32 to vector<16xi32>
        %select_n3A_86 = arith.select %eq3A_83, %broadcast_in_dim3A_85, %scan3A_62 : vector<16xi1>, vector<16xi32>
        %rem3A = arith.constant 16 : i32
        %rem3A_87 = arith.remsi %reduce_min3A_76, %rem3A : i32
        %broadcast_in_dim3A_88 = vector.broadcast %reduce_min3A_76 : i32 to vector<16xi32>
        %broadcast_in_dim3A_89 = arith.constant 0xFF800000 : f32
        %broadcast_in_dim3A_90 = vector.broadcast %broadcast_in_dim3A_89 : f32 to vector<16xf32>
        %eq3A_91 = arith.constant 0 : i32
        %eq3A_92 = vector.broadcast %eq3A_91 : i32 to vector<16xi32>
        %eq3A_93 = arith.cmpi eq, %iota3A, %eq3A_92 : vector<16xi32>
        tpu.vector_store_idx %arg13[%broadcast_in_dim3A_88], %broadcast_in_dim3A_90 masked %eq3A_93 : memref<400xf32, #tpu.memory_space<vmem>>[vector<16xi32>], vector<16xf32>, vector<16xi1>
        %add3A_94 = arith.constant 16 : i32
        %add3A_95 = vector.broadcast %add3A_94 : i32 to vector<16xi32>
        %add3A_96 = arith.addi %add3A_95, %iota3A : vector<16xi32>
        %lt3A_97 = arith.constant 25 : i32
        %lt3A_98 = vector.broadcast %lt3A_97 : i32 to vector<16xi32>
        %lt3A_99 = arith.cmpi slt, %add3A_96, %lt3A_98 : vector<16xi32>
        %mul3A_100 = arith.constant 16 : i32
        %mul3A_101 = vector.broadcast %mul3A_100 : i32 to vector<16xi32>
        %mul3A_102 = arith.muli %iota3A, %mul3A_101 : vector<16xi32>
        %add3A_103 = vector.broadcast %rem3A_87 : i32 to vector<16xi32>
        %add3A_104 = arith.addi %mul3A_102, %add3A_103 : vector<16xi32>
        %gather3A = tpu.vector_load_idx %arg13[%add3A_104] : memref<400xf32, #tpu.memory_space<vmem>>[vector<16xi32>], vector<16xf32>,
        %jit3A_105 = arith.constant 24 : i32
        %broadcast_in_dim3A_106 = vector.broadcast %jit3A_105 : i32 to vector<16xi32>
        %select_n3A_107 = arith.select %lt3A_99, %add3A_96, %broadcast_in_dim3A_106 : vector<16xi1>, vector<16xi32>
        %mul3A_108 = arith.constant 16 : i32
        %mul3A_109 = vector.broadcast %mul3A_108 : i32 to vector<16xi32>
        %mul3A_110 = arith.muli %select_n3A_107, %mul3A_109 : vector<16xi32>
        %add3A_111 = vector.broadcast %rem3A_87 : i32 to vector<16xi32>
        %add3A_112 = arith.addi %mul3A_110, %add3A_111 : vector<16xi32>
        %gather3A_113 = tpu.vector_load_idx %arg13[%add3A_112] : memref<400xf32, #tpu.memory_space<vmem>>[vector<16xi32>], vector<16xf32>,
        %jit3A_114 = arith.constant 0xFF800000 : f32
        %broadcast_in_dim3A_115 = vector.broadcast %jit3A_114 : f32 to vector<16xf32>
        %select_n3A_116 = arith.select %lt3A_99, %gather3A_113, %broadcast_in_dim3A_115 : vector<16xi1>, vector<16xf32>
        %gt3A = arith.cmpf ogt, %select_n3A_116, %gather3A : vector<16xf32>
        %select_n3A_117 = arith.select %gt3A, %select_n3A_116, %gather3A : vector<16xi1>, vector<16xf32>
        %select_n3A_118 = arith.select %gt3A, %add3A_96, %iota3A : vector<16xi1>, vector<16xi32>
        %reduce_max3A_119 = arith.constant true
        %reduce_max3A_120 = vector.broadcast %reduce_max3A_119 : i1 to vector<16xi1>
        %reduce_max3A_121 = tpu.scan <max>, %select_n3A_117 masked %reduce_max3A_120 : vector<16xf32>, vector<16xi1> -> vector<16xf32>
        %reduce_max3A_122 = vector.extract %reduce_max3A_121[15] : f32 from vector<16xf32>
        %eq3A_123 = vector.broadcast %reduce_max3A_122 : f32 to vector<16xf32>
        %eq3A_124 = arith.cmpf oeq, %select_n3A_117, %eq3A_123 : vector<16xf32>
        %jit3A_125 = arith.constant 1073741824 : i32
        %broadcast_in_dim3A_126 = vector.broadcast %jit3A_125 : i32 to vector<16xi32>
        %select_n3A_127 = arith.select %eq3A_124, %select_n3A_118, %broadcast_in_dim3A_126 : vector<16xi1>, vector<16xi32>
        %reduce_min3A_128 = arith.constant true
        %reduce_min3A_129 = vector.broadcast %reduce_min3A_128 : i1 to vector<16xi1>
        %reduce_min3A_130 = arith.constant -2147483648 : i32
        %reduce_min3A_131 = vector.broadcast %reduce_min3A_130 : i32 to vector<16xi32>
        %reduce_min3A_132 = arith.xori %select_n3A_127, %reduce_min3A_131 : vector<16xi32>
        %reduce_min3A_133 = tpu.scan <min>, %reduce_min3A_132 masked %reduce_min3A_129 : vector<16xi32>, vector<16xi1> -> vector<16xi32>
        %reduce_min3A_134 = arith.xori %reduce_min3A_133, %reduce_min3A_131 : vector<16xi32>
        %reduce_min3A_135 = vector.extract %reduce_min3A_134[15] : i32 from vector<16xi32>
        %eq3A_136 = vector.broadcast %rem3A_87 : i32 to vector<16xi32>
        %eq3A_137 = arith.cmpi eq, %iota3A, %eq3A_136 : vector<16xi32>
        %broadcast_in_dim3A_138 = vector.broadcast %reduce_max3A_122 : f32 to vector<16xf32>
        %select_n3A_139 = arith.select %eq3A_137, %broadcast_in_dim3A_138, %scan3A_59 : vector<16xi1>, vector<16xf32>
        %mul3A_140 = arith.constant 16 : i32
        %mul3A_141 = arith.muli %reduce_min3A_135, %mul3A_140 : i32
        %add3A_142 = arith.addi %mul3A_141, %rem3A_87 : i32
        %broadcast_in_dim3A_143 = vector.broadcast %add3A_142 : i32 to vector<16xi32>
        %select_n3A_144 = arith.select %eq3A_137, %broadcast_in_dim3A_143, %scan3A_60 : vector<16xi1>, vector<16xi32>
        scf.yield %select_n3A_139, %select_n3A_144, %select_n3A_80, %select_n3A_86 : vector<16xf32>, vector<16xi32>, vector<16xf32>, vector<16xi32>
      }
      %scan3A_50 = arith.constant 5 : i32
      %lt3A = arith.constant 5 : i32
      %lt3A_51 = vector.broadcast %lt3A : i32 to vector<16xi32>
      %lt3A_52 = arith.cmpi slt, %iota3A, %lt3A_51 : vector<16xi32>
      %bitcast3A = vector.bitcast %scan3A_49#3 : vector<16xi32> to vector<16xf32>
      %select_n3A = arith.select %lt3A_52, %scan3A_49#2, %bitcast3A : vector<16xi1>, vector<16xf32>
      %swap3A = arith.constant 0 : index
      %swap3A_53 = tpu.vector_load %arg19[%swap3A] {strides = array<i32>} : memref<16xf32, #tpu.memory_space<vmem>>, vector<16xf32>,
      tpu.vector_store %arg19[%swap3A], %select_n3A {strides = array<i32>} : memref<16xf32, #tpu.memory_space<vmem>>, vector<16xf32>,
      %mul3A_54 = arith.constant 16 : i32
      %mul3A_55 = arith.muli %mul3A_54, %arg1 : i32
      %sub3A_56 = arith.constant 16 : i32
      %sub3A_57 = arith.subi %mul3A_55, %sub3A_56 : i32
      "tpu.region"() ({
        %run_scoped3A = tpu.sem_alloc : memref<!tpu.dma_semaphore, #tpu.memory_space<semaphore_mem>>
        %dma_start3A = tpu.memref_slice %arg21[%sub3A_57] : memref<256xf32, #tpu.memory_space<vmem_shared>> -> memref<16xf32, #tpu.memory_space<vmem_shared>>
        %dma_start3A_58 = tpu.memref_slice %arg21[%sub3A_57] : memref<256xf32, #tpu.memory_space<vmem_shared>> -> memref<16xf32, #tpu.memory_space<vmem_shared>>
        tpu.enqueue_dma source(%arg19 : memref<16xf32, #tpu.memory_space<vmem>>) target(%dma_start3A_58 : memref<16xf32, #tpu.memory_space<vmem_shared>>) target_semaphore(%run_scoped3A : memref<!tpu.dma_semaphore, #tpu.memory_space<semaphore_mem>>)
        %dma_wait3A = tpu.memref_slice %arg21[%sub3A_57] : memref<256xf32, #tpu.memory_space<vmem_shared>> -> memref<16xf32, #tpu.memory_space<vmem_shared>>
        %dma_wait3A_59 = tpu.memref_slice %arg21[%sub3A_57] : memref<256xf32, #tpu.memory_space<vmem_shared>> -> memref<16xf32, #tpu.memory_space<vmem_shared>>
        tpu.wait_dma2 semaphore(%run_scoped3A : memref<!tpu.dma_semaphore, #tpu.memory_space<semaphore_mem>>) src(%arg19 : memref<16xf32, #tpu.memory_space<vmem>>) dst(%dma_wait3A_59 : memref<16xf32, #tpu.memory_space<vmem_shared>>)
        tpu.yield
      }) : () -> ()
    } else {
    }
    %eq3A_7 = arith.constant 9 : i32
    %eq3A_8 = arith.cmpi eq, %arg1, %eq3A_7 : i32
    %convert_element_type3A_9 = arith.extui %eq3A_8 : i1 to i32
    %cond3A_10 = arith.constant 0 : i32
    %cond3A_11 = arith.cmpi ne, %convert_element_type3A_9, %cond3A_10 : i32
    scf.if %cond3A_11 {
      %scan3A = arith.constant 0 : i32
      %scan3A_27 = arith.constant 0 : i32
      %scan3A_28 = arith.constant 7 : i32
      %scan3A_29 = arith.addi %scan3A_27, %scan3A_28 : i32
      %scan3A_30 = arith.constant 1 : i32
      scf.for %scan3A_51 = %scan3A_27 to %scan3A_29 step %scan3A_30  : i32 {
        %mul3A_52 = arith.constant 1000 : i32
        %mul3A_53 = arith.muli %mul3A_52, %scan3A_51 : i32
        %add3A = arith.constant 392 : i32
        %add3A_54 = arith.addi %add3A, %mul3A_53 : i32
        %mul3A_55 = arith.constant 16 : i32
        %mul3A_56 = arith.muli %mul3A_55, %scan3A_51 : i32
        %dma_start3A = tpu.memref_slice %arg14[%mul3A_56] : memref<112xf32, #tpu.memory_space<vmem>> -> memref<16xf32, #tpu.memory_space<vmem>>
        %dma_start3A_57 = tpu.memref_slice %arg2[%add3A_54] : memref<8192xf32, #tpu.memory_space<hbm>> -> memref<16xf32, #tpu.memory_space<hbm>>
        %dma_start3A_58 = tpu.memref_slice %arg14[%mul3A_56] : memref<112xf32, #tpu.memory_space<vmem>> -> memref<16xf32, #tpu.memory_space<vmem>>
        %dma_start3A_59 = tpu.memref_slice %arg2[%add3A_54] : memref<8192xf32, #tpu.memory_space<hbm>> -> memref<16xf32, #tpu.memory_space<hbm>>
        tpu.enqueue_dma source(%dma_start3A_59 : memref<16xf32, #tpu.memory_space<hbm>>) target(%dma_start3A_58 : memref<16xf32, #tpu.memory_space<vmem>>) target_semaphore(%arg22 : memref<!tpu.dma_semaphore, #tpu.memory_space<semaphore_mem>>)
      }
      %scan3A_31 = arith.constant 7 : i32
      %dma_wait3A = arith.constant 0 : i32
      %dma_wait3A_32 = tpu.memref_slice %arg2[%dma_wait3A] : memref<8192xf32, #tpu.memory_space<hbm>> -> memref<112xf32, #tpu.memory_space<hbm>>
      %dma_wait3A_33 = arith.constant 0 : i32
      %dma_wait3A_34 = tpu.memref_slice %arg2[%dma_wait3A_33] : memref<8192xf32, #tpu.memory_space<hbm>> -> memref<112xf32, #tpu.memory_space<hbm>>
      tpu.wait_dma2 semaphore(%arg22 : memref<!tpu.dma_semaphore, #tpu.memory_space<semaphore_mem>>) src(%dma_wait3A_34 : memref<112xf32, #tpu.memory_space<hbm>>) dst(%arg14 : memref<112xf32, #tpu.memory_space<vmem>>)
      %min3A = arith.constant 6 : i32
      %min3A_35 = vector.broadcast %min3A : i32 to vector<16xi32>
      %min3A_36 = arith.minsi %iota3A, %min3A_35 : vector<16xi32>
      %mul3A = arith.constant 16 : i32
      %mul3A_37 = vector.broadcast %mul3A : i32 to vector<16xi32>
      %mul3A_38 = arith.muli %min3A_36, %mul3A_37 : vector<16xi32>
      %broadcast_in_dim3A = arith.constant 0xFF800000 : f32
      %broadcast_in_dim3A_39 = vector.broadcast %broadcast_in_dim3A : f32 to vector<16xf32>
      %scan3A_40 = arith.constant 0 : i32
      %scan3A_41 = arith.constant 5 : i32
      %scan3A_42 = arith.addi %scan3A_40, %scan3A_41 : i32
      %scan3A_43 = arith.constant 1 : i32
      %scan3A_44 = scf.for %scan3A_51 = %scan3A_40 to %scan3A_42 step %scan3A_43 iter_args(%scan3A_52 = %broadcast_in_dim3A_39) -> (vector<16xf32>)  : i32 {
        %add3A = arith.constant 6 : i32
        %add3A_53 = vector.broadcast %add3A : i32 to vector<16xi32>
        %add3A_54 = arith.addi %mul3A_38, %add3A_53 : vector<16xi32>
        %add3A_55 = vector.broadcast %scan3A_51 : i32 to vector<16xi32>
        %add3A_56 = arith.addi %add3A_54, %add3A_55 : vector<16xi32>
        %gather3A = tpu.vector_load_idx %arg14[%add3A_56] : memref<112xf32, #tpu.memory_space<vmem>>[vector<16xi32>], vector<16xf32>,
        %max3A = arith.maximumf %scan3A_52, %gather3A : vector<16xf32>
        scf.yield %max3A : vector<16xf32>
      }
      %scan3A_45 = arith.constant 5 : i32
      %le3A_46 = arith.constant 6 : i32
      %le3A_47 = vector.broadcast %le3A_46 : i32 to vector<16xi32>
      %le3A_48 = arith.cmpi sle, %iota3A, %le3A_47 : vector<16xi32>
      %jit3A = arith.constant 0.000000e+00 : f32
      %broadcast_in_dim3A_49 = vector.broadcast %jit3A : f32 to vector<16xf32>
      %select_n3A = arith.select %le3A_48, %scan3A_44, %broadcast_in_dim3A_49 : vector<16xi1>, vector<16xf32>
      %swap3A = arith.constant 0 : index
      %swap3A_50 = tpu.vector_load %arg19[%swap3A] {strides = array<i32>} : memref<16xf32, #tpu.memory_space<vmem>>, vector<16xf32>,
      tpu.vector_store %arg19[%swap3A], %select_n3A {strides = array<i32>} : memref<16xf32, #tpu.memory_space<vmem>>, vector<16xf32>,
      "tpu.region"() ({
        %run_scoped3A = tpu.sem_alloc : memref<!tpu.dma_semaphore, #tpu.memory_space<semaphore_mem>>
        %dma_start3A = arith.constant 128 : i32
        %dma_start3A_51 = tpu.memref_slice %arg21[%dma_start3A] : memref<256xf32, #tpu.memory_space<vmem_shared>> -> memref<16xf32, #tpu.memory_space<vmem_shared>>
        %dma_start3A_52 = arith.constant 128 : i32
        %dma_start3A_53 = tpu.memref_slice %arg21[%dma_start3A_52] : memref<256xf32, #tpu.memory_space<vmem_shared>> -> memref<16xf32, #tpu.memory_space<vmem_shared>>
        tpu.enqueue_dma source(%arg19 : memref<16xf32, #tpu.memory_space<vmem>>) target(%dma_start3A_53 : memref<16xf32, #tpu.memory_space<vmem_shared>>) target_semaphore(%run_scoped3A : memref<!tpu.dma_semaphore, #tpu.memory_space<semaphore_mem>>)
        %dma_wait3A_54 = arith.constant 128 : i32
        %dma_wait3A_55 = tpu.memref_slice %arg21[%dma_wait3A_54] : memref<256xf32, #tpu.memory_space<vmem_shared>> -> memref<16xf32, #tpu.memory_space<vmem_shared>>
        %dma_wait3A_56 = arith.constant 128 : i32
        %dma_wait3A_57 = tpu.memref_slice %arg21[%dma_wait3A_56] : memref<256xf32, #tpu.memory_space<vmem_shared>> -> memref<16xf32, #tpu.memory_space<vmem_shared>>
        tpu.wait_dma2 semaphore(%run_scoped3A : memref<!tpu.dma_semaphore, #tpu.memory_space<semaphore_mem>>) src(%arg19 : memref<16xf32, #tpu.memory_space<vmem>>) dst(%dma_wait3A_57 : memref<16xf32, #tpu.memory_space<vmem_shared>>)
        tpu.yield
      }) : () -> ()
    } else {
    }
    %eq3A_12 = arith.constant 10 : i32
    %eq3A_13 = arith.cmpi eq, %arg1, %eq3A_12 : i32
    %convert_element_type3A_14 = arith.extui %eq3A_13 : i1 to i32
    %cond3A_15 = arith.constant 0 : i32
    %cond3A_16 = arith.cmpi ne, %convert_element_type3A_14, %cond3A_15 : i32
    scf.if %cond3A_16 {
      %scan3A = arith.constant 0 : i32
      %scan3A_27 = arith.constant 0 : i32
      %scan3A_28 = arith.constant 7 : i32
      %scan3A_29 = arith.addi %scan3A_27, %scan3A_28 : i32
      %scan3A_30 = arith.constant 1 : i32
      scf.for %scan3A_51 = %scan3A_27 to %scan3A_29 step %scan3A_30  : i32 {
        %mul3A_52 = arith.constant 1000 : i32
        %mul3A_53 = arith.muli %mul3A_52, %scan3A_51 : i32
        %add3A = arith.constant 992 : i32
        %add3A_54 = arith.addi %add3A, %mul3A_53 : i32
        %mul3A_55 = arith.constant 16 : i32
        %mul3A_56 = arith.muli %mul3A_55, %scan3A_51 : i32
        %dma_start3A = tpu.memref_slice %arg14[%mul3A_56] : memref<112xf32, #tpu.memory_space<vmem>> -> memref<16xf32, #tpu.memory_space<vmem>>
        %dma_start3A_57 = tpu.memref_slice %arg3[%add3A_54] : memref<8192xf32, #tpu.memory_space<hbm>> -> memref<16xf32, #tpu.memory_space<hbm>>
        %dma_start3A_58 = tpu.memref_slice %arg14[%mul3A_56] : memref<112xf32, #tpu.memory_space<vmem>> -> memref<16xf32, #tpu.memory_space<vmem>>
        %dma_start3A_59 = tpu.memref_slice %arg3[%add3A_54] : memref<8192xf32, #tpu.memory_space<hbm>> -> memref<16xf32, #tpu.memory_space<hbm>>
        tpu.enqueue_dma source(%dma_start3A_59 : memref<16xf32, #tpu.memory_space<hbm>>) target(%dma_start3A_58 : memref<16xf32, #tpu.memory_space<vmem>>) target_semaphore(%arg22 : memref<!tpu.dma_semaphore, #tpu.memory_space<semaphore_mem>>)
      }
      %scan3A_31 = arith.constant 7 : i32
      %dma_wait3A = arith.constant 0 : i32
      %dma_wait3A_32 = tpu.memref_slice %arg3[%dma_wait3A] : memref<8192xf32, #tpu.memory_space<hbm>> -> memref<112xf32, #tpu.memory_space<hbm>>
      %dma_wait3A_33 = arith.constant 0 : i32
      %dma_wait3A_34 = tpu.memref_slice %arg3[%dma_wait3A_33] : memref<8192xf32, #tpu.memory_space<hbm>> -> memref<112xf32, #tpu.memory_space<hbm>>
      tpu.wait_dma2 semaphore(%arg22 : memref<!tpu.dma_semaphore, #tpu.memory_space<semaphore_mem>>) src(%dma_wait3A_34 : memref<112xf32, #tpu.memory_space<hbm>>) dst(%arg14 : memref<112xf32, #tpu.memory_space<vmem>>)
      %min3A = arith.constant 6 : i32
      %min3A_35 = vector.broadcast %min3A : i32 to vector<16xi32>
      %min3A_36 = arith.minsi %iota3A, %min3A_35 : vector<16xi32>
      %mul3A = arith.constant 16 : i32
      %mul3A_37 = vector.broadcast %mul3A : i32 to vector<16xi32>
      %mul3A_38 = arith.muli %min3A_36, %mul3A_37 : vector<16xi32>
      %broadcast_in_dim3A = arith.constant 0xFF800000 : f32
      %broadcast_in_dim3A_39 = vector.broadcast %broadcast_in_dim3A : f32 to vector<16xf32>
      %scan3A_40 = arith.constant 0 : i32
      %scan3A_41 = arith.constant 5 : i32
      %scan3A_42 = arith.addi %scan3A_40, %scan3A_41 : i32
      %scan3A_43 = arith.constant 1 : i32
      %scan3A_44 = scf.for %scan3A_51 = %scan3A_40 to %scan3A_42 step %scan3A_43 iter_args(%scan3A_52 = %broadcast_in_dim3A_39) -> (vector<16xf32>)  : i32 {
        %add3A = arith.constant 6 : i32
        %add3A_53 = vector.broadcast %add3A : i32 to vector<16xi32>
        %add3A_54 = arith.addi %mul3A_38, %add3A_53 : vector<16xi32>
        %add3A_55 = vector.broadcast %scan3A_51 : i32 to vector<16xi32>
        %add3A_56 = arith.addi %add3A_54, %add3A_55 : vector<16xi32>
        %gather3A = tpu.vector_load_idx %arg14[%add3A_56] : memref<112xf32, #tpu.memory_space<vmem>>[vector<16xi32>], vector<16xf32>,
        %max3A = arith.maximumf %scan3A_52, %gather3A : vector<16xf32>
        scf.yield %max3A : vector<16xf32>
      }
      %scan3A_45 = arith.constant 5 : i32
      %le3A_46 = arith.constant 6 : i32
      %le3A_47 = vector.broadcast %le3A_46 : i32 to vector<16xi32>
      %le3A_48 = arith.cmpi sle, %iota3A, %le3A_47 : vector<16xi32>
      %jit3A = arith.constant 0.000000e+00 : f32
      %broadcast_in_dim3A_49 = vector.broadcast %jit3A : f32 to vector<16xf32>
      %select_n3A = arith.select %le3A_48, %scan3A_44, %broadcast_in_dim3A_49 : vector<16xi1>, vector<16xf32>
      %swap3A = arith.constant 0 : index
      %swap3A_50 = tpu.vector_load %arg19[%swap3A] {strides = array<i32>} : memref<16xf32, #tpu.memory_space<vmem>>, vector<16xf32>,
      tpu.vector_store %arg19[%swap3A], %select_n3A {strides = array<i32>} : memref<16xf32, #tpu.memory_space<vmem>>, vector<16xf32>,
      "tpu.region"() ({
        %run_scoped3A = tpu.sem_alloc : memref<!tpu.dma_semaphore, #tpu.memory_space<semaphore_mem>>
        %dma_start3A = arith.constant 144 : i32
        %dma_start3A_51 = tpu.memref_slice %arg21[%dma_start3A] : memref<256xf32, #tpu.memory_space<vmem_shared>> -> memref<16xf32, #tpu.memory_space<vmem_shared>>
        %dma_start3A_52 = arith.constant 144 : i32
        %dma_start3A_53 = tpu.memref_slice %arg21[%dma_start3A_52] : memref<256xf32, #tpu.memory_space<vmem_shared>> -> memref<16xf32, #tpu.memory_space<vmem_shared>>
        tpu.enqueue_dma source(%arg19 : memref<16xf32, #tpu.memory_space<vmem>>) target(%dma_start3A_53 : memref<16xf32, #tpu.memory_space<vmem_shared>>) target_semaphore(%run_scoped3A : memref<!tpu.dma_semaphore, #tpu.memory_space<semaphore_mem>>)
        %dma_wait3A_54 = arith.constant 144 : i32
        %dma_wait3A_55 = tpu.memref_slice %arg21[%dma_wait3A_54] : memref<256xf32, #tpu.memory_space<vmem_shared>> -> memref<16xf32, #tpu.memory_space<vmem_shared>>
        %dma_wait3A_56 = arith.constant 144 : i32
        %dma_wait3A_57 = tpu.memref_slice %arg21[%dma_wait3A_56] : memref<256xf32, #tpu.memory_space<vmem_shared>> -> memref<16xf32, #tpu.memory_space<vmem_shared>>
        tpu.wait_dma2 semaphore(%run_scoped3A : memref<!tpu.dma_semaphore, #tpu.memory_space<semaphore_mem>>) src(%arg19 : memref<16xf32, #tpu.memory_space<vmem>>) dst(%dma_wait3A_57 : memref<16xf32, #tpu.memory_space<vmem_shared>>)
        tpu.yield
      }) : () -> ()
    } else {
    }
    %eq3A_17 = arith.constant 11 : i32
    %eq3A_18 = arith.cmpi eq, %arg1, %eq3A_17 : i32
    %convert_element_type3A_19 = arith.extui %eq3A_18 : i1 to i32
    %cond3A_20 = arith.constant 0 : i32
    %cond3A_21 = arith.cmpi ne, %convert_element_type3A_19, %cond3A_20 : i32
    scf.if %cond3A_21 {
      %dma_start3A = arith.constant 0 : i32
      %dma_start3A_27 = tpu.memref_slice %arg4[%dma_start3A] : memref<8192xf32, #tpu.memory_space<hbm>> -> memref<16xf32, #tpu.memory_space<hbm>>
      %dma_start3A_28 = arith.constant 0 : i32
      %dma_start3A_29 = tpu.memref_slice %arg4[%dma_start3A_28] : memref<8192xf32, #tpu.memory_space<hbm>> -> memref<16xf32, #tpu.memory_space<hbm>>
      tpu.enqueue_dma source(%dma_start3A_29 : memref<16xf32, #tpu.memory_space<hbm>>) target(%arg15 : memref<16xf32, #tpu.memory_space<vmem>>) target_semaphore(%arg22 : memref<!tpu.dma_semaphore, #tpu.memory_space<semaphore_mem>>)
      %dma_start3A_30 = arith.constant 7392 : i32
      %dma_start3A_31 = tpu.memref_slice %arg5[%dma_start3A_30] : memref<8192xf32, #tpu.memory_space<hbm>> -> memref<16xf32, #tpu.memory_space<hbm>>
      %dma_start3A_32 = arith.constant 7392 : i32
      %dma_start3A_33 = tpu.memref_slice %arg5[%dma_start3A_32] : memref<8192xf32, #tpu.memory_space<hbm>> -> memref<16xf32, #tpu.memory_space<hbm>>
      tpu.enqueue_dma source(%dma_start3A_33 : memref<16xf32, #tpu.memory_space<hbm>>) target(%arg16 : memref<16xf32, #tpu.memory_space<vmem>>) target_semaphore(%arg22 : memref<!tpu.dma_semaphore, #tpu.memory_space<semaphore_mem>>)
      %dma_start3A_34 = arith.constant 0 : i32
      %dma_start3A_35 = tpu.memref_slice %arg14[%dma_start3A_34] : memref<112xf32, #tpu.memory_space<vmem>> -> memref<16xf32, #tpu.memory_space<vmem>>
      %dma_start3A_36 = arith.constant 0 : i32
      %dma_start3A_37 = tpu.memref_slice %arg14[%dma_start3A_36] : memref<112xf32, #tpu.memory_space<vmem>> -> memref<16xf32, #tpu.memory_space<vmem>>
      tpu.enqueue_dma source(%arg9 : memref<16xf32, #tpu.memory_space<hbm>>) target(%dma_start3A_37 : memref<16xf32, #tpu.memory_space<vmem>>) target_semaphore(%arg22 : memref<!tpu.dma_semaphore, #tpu.memory_space<semaphore_mem>>)
      %dma_wait3A = arith.constant 0 : i32
      %dma_wait3A_38 = tpu.memref_slice %arg4[%dma_wait3A] : memref<8192xf32, #tpu.memory_space<hbm>> -> memref<16xf32, #tpu.memory_space<hbm>>
      %dma_wait3A_39 = arith.constant 0 : i32
      %dma_wait3A_40 = tpu.memref_slice %arg4[%dma_wait3A_39] : memref<8192xf32, #tpu.memory_space<hbm>> -> memref<16xf32, #tpu.memory_space<hbm>>
      tpu.wait_dma2 semaphore(%arg22 : memref<!tpu.dma_semaphore, #tpu.memory_space<semaphore_mem>>) src(%dma_wait3A_40 : memref<16xf32, #tpu.memory_space<hbm>>) dst(%arg15 : memref<16xf32, #tpu.memory_space<vmem>>)
      %dma_wait3A_41 = arith.constant 7392 : i32
      %dma_wait3A_42 = tpu.memref_slice %arg5[%dma_wait3A_41] : memref<8192xf32, #tpu.memory_space<hbm>> -> memref<16xf32, #tpu.memory_space<hbm>>
      %dma_wait3A_43 = arith.constant 7392 : i32
      %dma_wait3A_44 = tpu.memref_slice %arg5[%dma_wait3A_43] : memref<8192xf32, #tpu.memory_space<hbm>> -> memref<16xf32, #tpu.memory_space<hbm>>
      tpu.wait_dma2 semaphore(%arg22 : memref<!tpu.dma_semaphore, #tpu.memory_space<semaphore_mem>>) src(%dma_wait3A_44 : memref<16xf32, #tpu.memory_space<hbm>>) dst(%arg16 : memref<16xf32, #tpu.memory_space<vmem>>)
      %dma_wait3A_45 = arith.constant 0 : i32
      %dma_wait3A_46 = tpu.memref_slice %arg14[%dma_wait3A_45] : memref<112xf32, #tpu.memory_space<vmem>> -> memref<16xf32, #tpu.memory_space<vmem>>
      %dma_wait3A_47 = arith.constant 0 : i32
      %dma_wait3A_48 = tpu.memref_slice %arg14[%dma_wait3A_47] : memref<112xf32, #tpu.memory_space<vmem>> -> memref<16xf32, #tpu.memory_space<vmem>>
      tpu.wait_dma2 semaphore(%arg22 : memref<!tpu.dma_semaphore, #tpu.memory_space<semaphore_mem>>) src(%arg9 : memref<16xf32, #tpu.memory_space<hbm>>) dst(%dma_wait3A_48 : memref<16xf32, #tpu.memory_space<vmem>>)
      %le3A_49 = arith.constant 2 : i32
      %le3A_50 = vector.broadcast %le3A_49 : i32 to vector<16xi32>
      %le3A_51 = arith.cmpi sle, %iota3A, %le3A_50 : vector<16xi32>
      %get3A = arith.constant 0 : index
      %get3A_52 = tpu.vector_load %arg15[%get3A] {strides = array<i32>} : memref<16xf32, #tpu.memory_space<vmem>>, vector<16xf32>,
      %jit3A = arith.constant 0xFF800000 : f32
      %broadcast_in_dim3A = vector.broadcast %jit3A : f32 to vector<16xf32>
      %select_n3A = arith.select %le3A_51, %get3A_52, %broadcast_in_dim3A : vector<16xi1>, vector<16xf32>
      %reduce_max3A = arith.constant true
      %reduce_max3A_53 = vector.broadcast %reduce_max3A : i1 to vector<16xi1>
      %reduce_max3A_54 = tpu.scan <max>, %select_n3A masked %reduce_max3A_53 : vector<16xf32>, vector<16xi1> -> vector<16xf32>
      %reduce_max3A_55 = vector.extract %reduce_max3A_54[15] : f32 from vector<16xf32>
      %ge3A_56 = arith.constant 5 : i32
      %ge3A_57 = vector.broadcast %ge3A_56 : i32 to vector<16xi32>
      %ge3A_58 = arith.cmpi sge, %iota3A, %ge3A_57 : vector<16xi32>
      %le3A_59 = arith.constant 9 : i32
      %le3A_60 = vector.broadcast %le3A_59 : i32 to vector<16xi32>
      %le3A_61 = arith.cmpi sle, %iota3A, %le3A_60 : vector<16xi32>
      %and3A_62 = arith.andi %ge3A_58, %le3A_61 : vector<16xi1>
      %get3A_63 = arith.constant 0 : index
      %get3A_64 = tpu.vector_load %arg16[%get3A_63] {strides = array<i32>} : memref<16xf32, #tpu.memory_space<vmem>>, vector<16xf32>,
      %jit3A_65 = arith.constant 0xFF800000 : f32
      %broadcast_in_dim3A_66 = vector.broadcast %jit3A_65 : f32 to vector<16xf32>
      %select_n3A_67 = arith.select %and3A_62, %get3A_64, %broadcast_in_dim3A_66 : vector<16xi1>, vector<16xf32>
      %reduce_max3A_68 = arith.constant true
      %reduce_max3A_69 = vector.broadcast %reduce_max3A_68 : i1 to vector<16xi1>
      %reduce_max3A_70 = tpu.scan <max>, %select_n3A_67 masked %reduce_max3A_69 : vector<16xf32>, vector<16xi1> -> vector<16xf32>
      %reduce_max3A_71 = vector.extract %reduce_max3A_70[15] : f32 from vector<16xf32>
      %get3A_72 = arith.constant 0 : index
      %get3A_73 = tpu.vector_load %arg14[%get3A_72] {strides = array<i32>} : memref<112xf32, #tpu.memory_space<vmem>>, vector<16xf32>,
      %sub3A = arith.constant 4 : i32
      %sub3A_74 = vector.broadcast %sub3A : i32 to vector<16xi32>
      %sub3A_75 = arith.subi %iota3A, %sub3A_74 : vector<16xi32>
      %jit3A_76 = arith.constant 0 : i32
      %jit3A_77 = arith.constant 15 : i32
      %max3A = vector.broadcast %jit3A_76 : i32 to vector<16xi32>
      %max3A_78 = arith.maxsi %max3A, %sub3A_75 : vector<16xi32>
      %min3A = vector.broadcast %jit3A_77 : i32 to vector<16xi32>
      %min3A_79 = arith.minsi %min3A, %max3A_78 : vector<16xi32>
      %swap3A = arith.constant 0 : index
      %swap3A_80 = tpu.vector_load %arg18[%swap3A] {strides = array<i32>} : memref<16xf32, #tpu.memory_space<vmem>>, vector<16xf32>,
      tpu.vector_store %arg18[%swap3A], %get3A_73 {strides = array<i32>} : memref<16xf32, #tpu.memory_space<vmem>>, vector<16xf32>,
      %gather3A = tpu.vector_load_idx %arg18[%min3A_79] : memref<16xf32, #tpu.memory_space<vmem>>[vector<16xi32>], vector<16xf32>,
      %eq3A_81 = arith.constant 0 : i32
      %eq3A_82 = vector.broadcast %eq3A_81 : i32 to vector<16xi32>
      %eq3A_83 = arith.cmpi eq, %iota3A, %eq3A_82 : vector<16xi32>
      %eq3A_84 = arith.constant 1 : i32
      %eq3A_85 = vector.broadcast %eq3A_84 : i32 to vector<16xi32>
      %eq3A_86 = arith.cmpi eq, %iota3A, %eq3A_85 : vector<16xi32>
      %ge3A_87 = arith.constant 4 : i32
      %ge3A_88 = vector.broadcast %ge3A_87 : i32 to vector<16xi32>
      %ge3A_89 = arith.cmpi sge, %iota3A, %ge3A_88 : vector<16xi32>
      %le3A_90 = arith.constant 7 : i32
      %le3A_91 = vector.broadcast %le3A_90 : i32 to vector<16xi32>
      %le3A_92 = arith.cmpi sle, %iota3A, %le3A_91 : vector<16xi32>
      %and3A_93 = arith.andi %ge3A_89, %le3A_92 : vector<16xi1>
      %jit3A_94 = arith.constant 0.000000e+00 : f32
      %broadcast_in_dim3A_95 = vector.broadcast %jit3A_94 : f32 to vector<16xf32>
      %select_n3A_96 = arith.select %and3A_93, %gather3A, %broadcast_in_dim3A_95 : vector<16xi1>, vector<16xf32>
      %broadcast_in_dim3A_97 = vector.broadcast %reduce_max3A_71 : f32 to vector<16xf32>
      %select_n3A_98 = arith.select %eq3A_86, %broadcast_in_dim3A_97, %select_n3A_96 : vector<16xi1>, vector<16xf32>
      %broadcast_in_dim3A_99 = vector.broadcast %reduce_max3A_55 : f32 to vector<16xf32>
      %select_n3A_100 = arith.select %eq3A_83, %broadcast_in_dim3A_99, %select_n3A_98 : vector<16xi1>, vector<16xf32>
      %swap3A_101 = arith.constant 0 : index
      %swap3A_102 = tpu.vector_load %arg19[%swap3A_101] {strides = array<i32>} : memref<16xf32, #tpu.memory_space<vmem>>, vector<16xf32>,
      tpu.vector_store %arg19[%swap3A_101], %select_n3A_100 {strides = array<i32>} : memref<16xf32, #tpu.memory_space<vmem>>, vector<16xf32>,
      "tpu.region"() ({
        %run_scoped3A = tpu.sem_alloc : memref<!tpu.dma_semaphore, #tpu.memory_space<semaphore_mem>>
        %dma_start3A_103 = arith.constant 160 : i32
        %dma_start3A_104 = tpu.memref_slice %arg21[%dma_start3A_103] : memref<256xf32, #tpu.memory_space<vmem_shared>> -> memref<16xf32, #tpu.memory_space<vmem_shared>>
        %dma_start3A_105 = arith.constant 160 : i32
        %dma_start3A_106 = tpu.memref_slice %arg21[%dma_start3A_105] : memref<256xf32, #tpu.memory_space<vmem_shared>> -> memref<16xf32, #tpu.memory_space<vmem_shared>>
        tpu.enqueue_dma source(%arg19 : memref<16xf32, #tpu.memory_space<vmem>>) target(%dma_start3A_106 : memref<16xf32, #tpu.memory_space<vmem_shared>>) target_semaphore(%run_scoped3A : memref<!tpu.dma_semaphore, #tpu.memory_space<semaphore_mem>>)
        %dma_wait3A_107 = arith.constant 160 : i32
        %dma_wait3A_108 = tpu.memref_slice %arg21[%dma_wait3A_107] : memref<256xf32, #tpu.memory_space<vmem_shared>> -> memref<16xf32, #tpu.memory_space<vmem_shared>>
        %dma_wait3A_109 = arith.constant 160 : i32
        %dma_wait3A_110 = tpu.memref_slice %arg21[%dma_wait3A_109] : memref<256xf32, #tpu.memory_space<vmem_shared>> -> memref<16xf32, #tpu.memory_space<vmem_shared>>
        tpu.wait_dma2 semaphore(%run_scoped3A : memref<!tpu.dma_semaphore, #tpu.memory_space<semaphore_mem>>) src(%arg19 : memref<16xf32, #tpu.memory_space<vmem>>) dst(%dma_wait3A_110 : memref<16xf32, #tpu.memory_space<vmem_shared>>)
        tpu.yield
      }) : () -> ()
    } else {
    }
    %barrier3A = arith.constant 0 : index
    tpu.barrier barrier_id(%barrier3A)
    %eq3A_22 = arith.constant 0 : i32
    %eq3A_23 = arith.cmpi eq, %arg1, %eq3A_22 : i32
    %convert_element_type3A_24 = arith.extui %eq3A_23 : i1 to i32
    %cond3A_25 = arith.constant 0 : i32
    %cond3A_26 = arith.cmpi ne, %convert_element_type3A_24, %cond3A_25 : i32
    scf.if %cond3A_26 {
      %dma_wait3A = arith.constant 0 : i32
      %dma_wait3A_27 = tpu.memref_slice %arg7[%dma_wait3A] : memref<8192xf32, #tpu.memory_space<hbm>> -> memref<7400xf32, #tpu.memory_space<hbm>>
      %dma_wait3A_28 = arith.constant 0 : i32
      %dma_wait3A_29 = tpu.memref_slice %arg7[%dma_wait3A_28] : memref<8192xf32, #tpu.memory_space<hbm>> -> memref<7400xf32, #tpu.memory_space<hbm>>
      tpu.wait_dma2 semaphore(%arg22 : memref<!tpu.dma_semaphore, #tpu.memory_space<semaphore_mem>>) src(%dma_wait3A_29 : memref<7400xf32, #tpu.memory_space<hbm>>) dst(%arg11 : memref<7400xf32, #tpu.memory_space<vmem>>)
      %dma_wait3A_30 = arith.constant 0 : i32
      %dma_wait3A_31 = tpu.memref_slice %arg8[%dma_wait3A_30] : memref<24576xf32, #tpu.memory_space<hbm>> -> memref<9600xf32, #tpu.memory_space<hbm>>
      %dma_wait3A_32 = arith.constant 0 : i32
      %dma_wait3A_33 = tpu.memref_slice %arg8[%dma_wait3A_32] : memref<24576xf32, #tpu.memory_space<hbm>> -> memref<9600xf32, #tpu.memory_space<hbm>>
      tpu.wait_dma2 semaphore(%arg22 : memref<!tpu.dma_semaphore, #tpu.memory_space<semaphore_mem>>) src(%dma_wait3A_33 : memref<9600xf32, #tpu.memory_space<hbm>>) dst(%arg12 : memref<9600xf32, #tpu.memory_space<vmem>>)
      "tpu.region"() ({
        %run_scoped3A = tpu.sem_alloc : memref<!tpu.dma_semaphore, #tpu.memory_space<semaphore_mem>>
        tpu.enqueue_dma source(%arg21 : memref<256xf32, #tpu.memory_space<vmem_shared>>) target(%arg17 : memref<256xf32, #tpu.memory_space<vmem>>) target_semaphore(%run_scoped3A : memref<!tpu.dma_semaphore, #tpu.memory_space<semaphore_mem>>)
        tpu.wait_dma2 semaphore(%run_scoped3A : memref<!tpu.dma_semaphore, #tpu.memory_space<semaphore_mem>>) src(%arg21 : memref<256xf32, #tpu.memory_space<vmem_shared>>) dst(%arg17 : memref<256xf32, #tpu.memory_space<vmem>>)
        tpu.yield
      }) : () -> ()
      %add3A = arith.constant 0 : i32
      %add3A_34 = vector.broadcast %add3A : i32 to vector<16xi32>
      %add3A_35 = arith.addi %add3A_34, %iota3A : vector<16xi32>
      %mul3A = arith.constant 6554 : i32
      %mul3A_36 = vector.broadcast %mul3A : i32 to vector<16xi32>
      %mul3A_37 = arith.muli %add3A_35, %mul3A_36 : vector<16xi32>
      %shift_right_logical3A = arith.constant 15 : i32
      %shift_right_logical3A_38 = vector.broadcast %shift_right_logical3A : i32 to vector<16xi32>
      %shift_right_logical3A_39 = arith.shrui %mul3A_37, %shift_right_logical3A_38 : vector<16xi32>
      %mul3A_40 = arith.constant 5 : i32
      %mul3A_41 = vector.broadcast %mul3A_40 : i32 to vector<16xi32>
      %mul3A_42 = arith.muli %mul3A_41, %shift_right_logical3A_39 : vector<16xi32>
      %sub3A = arith.subi %add3A_35, %mul3A_42 : vector<16xi32>
      %lt3A = arith.constant 40 : i32
      %lt3A_43 = vector.broadcast %lt3A : i32 to vector<16xi32>
      %lt3A_44 = arith.cmpi slt, %add3A_35, %lt3A_43 : vector<16xi32>
      %mul3A_45 = arith.constant 16 : i32
      %mul3A_46 = vector.broadcast %mul3A_45 : i32 to vector<16xi32>
      %mul3A_47 = arith.muli %mul3A_46, %shift_right_logical3A_39 : vector<16xi32>
      %add3A_48 = arith.addi %mul3A_47, %sub3A : vector<16xi32>
      %jit3A = arith.constant 0 : i32
      %broadcast_in_dim3A = vector.broadcast %jit3A : i32 to vector<16xi32>
      %select_n3A = arith.select %lt3A_44, %add3A_48, %broadcast_in_dim3A : vector<16xi1>, vector<16xi32>
      %mul3A_49 = arith.constant 16 : i32
      %mul3A_50 = vector.broadcast %mul3A_49 : i32 to vector<16xi32>
      %mul3A_51 = arith.muli %mul3A_50, %shift_right_logical3A_39 : vector<16xi32>
      %add3A_52 = arith.constant 5 : i32
      %add3A_53 = vector.broadcast %add3A_52 : i32 to vector<16xi32>
      %add3A_54 = arith.addi %mul3A_51, %add3A_53 : vector<16xi32>
      %add3A_55 = arith.addi %add3A_54, %sub3A : vector<16xi32>
      %jit3A_56 = arith.constant 5 : i32
      %broadcast_in_dim3A_57 = vector.broadcast %jit3A_56 : i32 to vector<16xi32>
      %select_n3A_58 = arith.select %lt3A_44, %add3A_55, %broadcast_in_dim3A_57 : vector<16xi1>, vector<16xi32>
      %gather3A = tpu.vector_load_idx %arg17[%select_n3A] : memref<256xf32, #tpu.memory_space<vmem>>[vector<16xi32>], vector<16xf32>,
      %jit3A_59 = arith.constant 0xFF800000 : f32
      %broadcast_in_dim3A_60 = vector.broadcast %jit3A_59 : f32 to vector<16xf32>
      %select_n3A_61 = arith.select %lt3A_44, %gather3A, %broadcast_in_dim3A_60 : vector<16xi1>, vector<16xf32>
      %gather3A_62 = tpu.vector_load_idx %arg17[%select_n3A_58] : memref<256xf32, #tpu.memory_space<vmem>>[vector<16xi32>], vector<16xf32>,
      %bitcast3A = vector.bitcast %gather3A_62 : vector<16xf32> to vector<16xi32>
      %masked_sort3A = arith.constant dense<true> : vector<16xi1>
      %masked_sort3A_63, %masked_sort3A_64, %masked_sort3A_65 = tpu.sort %select_n3A_61, %bitcast3A masked %masked_sort3A {descending = true} : (vector<16xf32>, vector<16xi32>, vector<16xi1>) -> (vector<16xi1>, vector<16xf32>, vector<16xi32>)
      %add3A_66 = arith.constant 16 : i32
      %add3A_67 = vector.broadcast %add3A_66 : i32 to vector<16xi32>
      %add3A_68 = arith.addi %add3A_67, %iota3A : vector<16xi32>
      %mul3A_69 = arith.constant 6554 : i32
      %mul3A_70 = vector.broadcast %mul3A_69 : i32 to vector<16xi32>
      %mul3A_71 = arith.muli %add3A_68, %mul3A_70 : vector<16xi32>
      %shift_right_logical3A_72 = arith.constant 15 : i32
      %shift_right_logical3A_73 = vector.broadcast %shift_right_logical3A_72 : i32 to vector<16xi32>
      %shift_right_logical3A_74 = arith.shrui %mul3A_71, %shift_right_logical3A_73 : vector<16xi32>
      %mul3A_75 = arith.constant 5 : i32
      %mul3A_76 = vector.broadcast %mul3A_75 : i32 to vector<16xi32>
      %mul3A_77 = arith.muli %mul3A_76, %shift_right_logical3A_74 : vector<16xi32>
      %sub3A_78 = arith.subi %add3A_68, %mul3A_77 : vector<16xi32>
      %lt3A_79 = arith.constant 40 : i32
      %lt3A_80 = vector.broadcast %lt3A_79 : i32 to vector<16xi32>
      %lt3A_81 = arith.cmpi slt, %add3A_68, %lt3A_80 : vector<16xi32>
      %mul3A_82 = arith.constant 16 : i32
      %mul3A_83 = vector.broadcast %mul3A_82 : i32 to vector<16xi32>
      %mul3A_84 = arith.muli %mul3A_83, %shift_right_logical3A_74 : vector<16xi32>
      %add3A_85 = arith.addi %mul3A_84, %sub3A_78 : vector<16xi32>
      %jit3A_86 = arith.constant 0 : i32
      %broadcast_in_dim3A_87 = vector.broadcast %jit3A_86 : i32 to vector<16xi32>
      %select_n3A_88 = arith.select %lt3A_81, %add3A_85, %broadcast_in_dim3A_87 : vector<16xi1>, vector<16xi32>
      %mul3A_89 = arith.constant 16 : i32
      %mul3A_90 = vector.broadcast %mul3A_89 : i32 to vector<16xi32>
      %mul3A_91 = arith.muli %mul3A_90, %shift_right_logical3A_74 : vector<16xi32>
      %add3A_92 = arith.constant 5 : i32
      %add3A_93 = vector.broadcast %add3A_92 : i32 to vector<16xi32>
      %add3A_94 = arith.addi %mul3A_91, %add3A_93 : vector<16xi32>
      %add3A_95 = arith.addi %add3A_94, %sub3A_78 : vector<16xi32>
      %jit3A_96 = arith.constant 5 : i32
      %broadcast_in_dim3A_97 = vector.broadcast %jit3A_96 : i32 to vector<16xi32>
      %select_n3A_98 = arith.select %lt3A_81, %add3A_95, %broadcast_in_dim3A_97 : vector<16xi1>, vector<16xi32>
      %gather3A_99 = tpu.vector_load_idx %arg17[%select_n3A_88] : memref<256xf32, #tpu.memory_space<vmem>>[vector<16xi32>], vector<16xf32>,
      %jit3A_100 = arith.constant 0xFF800000 : f32
      %broadcast_in_dim3A_101 = vector.broadcast %jit3A_100 : f32 to vector<16xf32>
      %select_n3A_102 = arith.select %lt3A_81, %gather3A_99, %broadcast_in_dim3A_101 : vector<16xi1>, vector<16xf32>
      %gather3A_103 = tpu.vector_load_idx %arg17[%select_n3A_98] : memref<256xf32, #tpu.memory_space<vmem>>[vector<16xi32>], vector<16xf32>,
      %bitcast3A_104 = vector.bitcast %gather3A_103 : vector<16xf32> to vector<16xi32>
      %masked_sort3A_105 = arith.constant dense<true> : vector<16xi1>
      %masked_sort3A_106, %masked_sort3A_107, %masked_sort3A_108 = tpu.sort %select_n3A_102, %bitcast3A_104 masked %masked_sort3A_105 {descending = true} : (vector<16xf32>, vector<16xi32>, vector<16xi1>) -> (vector<16xi1>, vector<16xf32>, vector<16xi32>)
      %add3A_109 = arith.constant 32 : i32
      %add3A_110 = vector.broadcast %add3A_109 : i32 to vector<16xi32>
      %add3A_111 = arith.addi %add3A_110, %iota3A : vector<16xi32>
      %mul3A_112 = arith.constant 6554 : i32
      %mul3A_113 = vector.broadcast %mul3A_112 : i32 to vector<16xi32>
      %mul3A_114 = arith.muli %add3A_111, %mul3A_113 : vector<16xi32>
      %shift_right_logical3A_115 = arith.constant 15 : i32
      %shift_right_logical3A_116 = vector.broadcast %shift_right_logical3A_115 : i32 to vector<16xi32>
      %shift_right_logical3A_117 = arith.shrui %mul3A_114, %shift_right_logical3A_116 : vector<16xi32>
      %mul3A_118 = arith.constant 5 : i32
      %mul3A_119 = vector.broadcast %mul3A_118 : i32 to vector<16xi32>
      %mul3A_120 = arith.muli %mul3A_119, %shift_right_logical3A_117 : vector<16xi32>
      %sub3A_121 = arith.subi %add3A_111, %mul3A_120 : vector<16xi32>
      %lt3A_122 = arith.constant 40 : i32
      %lt3A_123 = vector.broadcast %lt3A_122 : i32 to vector<16xi32>
      %lt3A_124 = arith.cmpi slt, %add3A_111, %lt3A_123 : vector<16xi32>
      %mul3A_125 = arith.constant 16 : i32
      %mul3A_126 = vector.broadcast %mul3A_125 : i32 to vector<16xi32>
      %mul3A_127 = arith.muli %mul3A_126, %shift_right_logical3A_117 : vector<16xi32>
      %add3A_128 = arith.addi %mul3A_127, %sub3A_121 : vector<16xi32>
      %jit3A_129 = arith.constant 0 : i32
      %broadcast_in_dim3A_130 = vector.broadcast %jit3A_129 : i32 to vector<16xi32>
      %select_n3A_131 = arith.select %lt3A_124, %add3A_128, %broadcast_in_dim3A_130 : vector<16xi1>, vector<16xi32>
      %mul3A_132 = arith.constant 16 : i32
      %mul3A_133 = vector.broadcast %mul3A_132 : i32 to vector<16xi32>
      %mul3A_134 = arith.muli %mul3A_133, %shift_right_logical3A_117 : vector<16xi32>
      %add3A_135 = arith.constant 5 : i32
      %add3A_136 = vector.broadcast %add3A_135 : i32 to vector<16xi32>
      %add3A_137 = arith.addi %mul3A_134, %add3A_136 : vector<16xi32>
      %add3A_138 = arith.addi %add3A_137, %sub3A_121 : vector<16xi32>
      %jit3A_139 = arith.constant 5 : i32
      %broadcast_in_dim3A_140 = vector.broadcast %jit3A_139 : i32 to vector<16xi32>
      %select_n3A_141 = arith.select %lt3A_124, %add3A_138, %broadcast_in_dim3A_140 : vector<16xi1>, vector<16xi32>
      %gather3A_142 = tpu.vector_load_idx %arg17[%select_n3A_131] : memref<256xf32, #tpu.memory_space<vmem>>[vector<16xi32>], vector<16xf32>,
      %jit3A_143 = arith.constant 0xFF800000 : f32
      %broadcast_in_dim3A_144 = vector.broadcast %jit3A_143 : f32 to vector<16xf32>
      %select_n3A_145 = arith.select %lt3A_124, %gather3A_142, %broadcast_in_dim3A_144 : vector<16xi1>, vector<16xf32>
      %gather3A_146 = tpu.vector_load_idx %arg17[%select_n3A_141] : memref<256xf32, #tpu.memory_space<vmem>>[vector<16xi32>], vector<16xf32>,
      %bitcast3A_147 = vector.bitcast %gather3A_146 : vector<16xf32> to vector<16xi32>
      %masked_sort3A_148 = arith.constant dense<true> : vector<16xi1>
      %masked_sort3A_149, %masked_sort3A_150, %masked_sort3A_151 = tpu.sort %select_n3A_145, %bitcast3A_147 masked %masked_sort3A_148 {descending = true} : (vector<16xf32>, vector<16xi32>, vector<16xi1>) -> (vector<16xi1>, vector<16xf32>, vector<16xi32>)
      %sub3A_152 = arith.constant 5 : i32
      %sub3A_153 = vector.broadcast %sub3A_152 : i32 to vector<16xi32>
      %sub3A_154 = arith.subi %iota3A, %sub3A_153 : vector<16xi32>
      %jit3A_155 = arith.constant 0 : i32
      %jit3A_156 = arith.constant 15 : i32
      %max3A = vector.broadcast %jit3A_155 : i32 to vector<16xi32>
      %max3A_157 = arith.maxsi %max3A, %sub3A_154 : vector<16xi32>
      %min3A = vector.broadcast %jit3A_156 : i32 to vector<16xi32>
      %min3A_158 = arith.minsi %min3A, %max3A_157 : vector<16xi32>
      %sub3A_159 = arith.constant 10 : i32
      %sub3A_160 = vector.broadcast %sub3A_159 : i32 to vector<16xi32>
      %sub3A_161 = arith.subi %iota3A, %sub3A_160 : vector<16xi32>
      %jit3A_162 = arith.constant 0 : i32
      %jit3A_163 = arith.constant 15 : i32
      %max3A_164 = vector.broadcast %jit3A_162 : i32 to vector<16xi32>
      %max3A_165 = arith.maxsi %max3A_164, %sub3A_161 : vector<16xi32>
      %min3A_166 = vector.broadcast %jit3A_163 : i32 to vector<16xi32>
      %min3A_167 = arith.minsi %min3A_166, %max3A_165 : vector<16xi32>
      %lt3A_168 = arith.constant 5 : i32
      %lt3A_169 = vector.broadcast %lt3A_168 : i32 to vector<16xi32>
      %lt3A_170 = arith.cmpi slt, %iota3A, %lt3A_169 : vector<16xi32>
      %swap3A = arith.constant 0 : index
      %swap3A_171 = tpu.vector_load %arg18[%swap3A] {strides = array<i32>} : memref<16xf32, #tpu.memory_space<vmem>>, vector<16xf32>,
      tpu.vector_store %arg18[%swap3A], %masked_sort3A_64 {strides = array<i32>} : memref<16xf32, #tpu.memory_space<vmem>>, vector<16xf32>,
      %gather3A_172 = tpu.vector_load_idx %arg18[%iota3A] : memref<16xf32, #tpu.memory_space<vmem>>[vector<16xi32>], vector<16xf32>,
      %lt3A_173 = arith.constant 10 : i32
      %lt3A_174 = vector.broadcast %lt3A_173 : i32 to vector<16xi32>
      %lt3A_175 = arith.cmpi slt, %iota3A, %lt3A_174 : vector<16xi32>
      %swap3A_176 = arith.constant 0 : index
      %swap3A_177 = tpu.vector_load %arg18[%swap3A_176] {strides = array<i32>} : memref<16xf32, #tpu.memory_space<vmem>>, vector<16xf32>,
      tpu.vector_store %arg18[%swap3A_176], %masked_sort3A_107 {strides = array<i32>} : memref<16xf32, #tpu.memory_space<vmem>>, vector<16xf32>,
      %gather3A_178 = tpu.vector_load_idx %arg18[%min3A_158] : memref<16xf32, #tpu.memory_space<vmem>>[vector<16xi32>], vector<16xf32>,
      %swap3A_179 = arith.constant 0 : index
      %swap3A_180 = tpu.vector_load %arg18[%swap3A_179] {strides = array<i32>} : memref<16xf32, #tpu.memory_space<vmem>>, vector<16xf32>,
      tpu.vector_store %arg18[%swap3A_179], %masked_sort3A_150 {strides = array<i32>} : memref<16xf32, #tpu.memory_space<vmem>>, vector<16xf32>,
      %gather3A_181 = tpu.vector_load_idx %arg18[%min3A_167] : memref<16xf32, #tpu.memory_space<vmem>>[vector<16xi32>], vector<16xf32>,
      %select_n3A_182 = arith.select %lt3A_175, %gather3A_178, %gather3A_181 : vector<16xi1>, vector<16xf32>
      %select_n3A_183 = arith.select %lt3A_170, %gather3A_172, %select_n3A_182 : vector<16xi1>, vector<16xf32>
      %lt3A_184 = arith.constant 5 : i32
      %lt3A_185 = vector.broadcast %lt3A_184 : i32 to vector<16xi32>
      %lt3A_186 = arith.cmpi slt, %iota3A, %lt3A_185 : vector<16xi32>
      %bitcast3A_187 = vector.bitcast %masked_sort3A_65 : vector<16xi32> to vector<16xf32>
      %swap3A_188 = arith.constant 0 : index
      %swap3A_189 = tpu.vector_load %arg18[%swap3A_188] {strides = array<i32>} : memref<16xf32, #tpu.memory_space<vmem>>, vector<16xf32>,
      tpu.vector_store %arg18[%swap3A_188], %bitcast3A_187 {strides = array<i32>} : memref<16xf32, #tpu.memory_space<vmem>>, vector<16xf32>,
      %gather3A_190 = tpu.vector_load_idx %arg18[%iota3A] : memref<16xf32, #tpu.memory_space<vmem>>[vector<16xi32>], vector<16xf32>,
      %bitcast3A_191 = vector.bitcast %gather3A_190 : vector<16xf32> to vector<16xi32>
      %lt3A_192 = arith.constant 10 : i32
      %lt3A_193 = vector.broadcast %lt3A_192 : i32 to vector<16xi32>
      %lt3A_194 = arith.cmpi slt, %iota3A, %lt3A_193 : vector<16xi32>
      %bitcast3A_195 = vector.bitcast %masked_sort3A_108 : vector<16xi32> to vector<16xf32>
      %swap3A_196 = arith.constant 0 : index
      %swap3A_197 = tpu.vector_load %arg18[%swap3A_196] {strides = array<i32>} : memref<16xf32, #tpu.memory_space<vmem>>, vector<16xf32>,
      tpu.vector_store %arg18[%swap3A_196], %bitcast3A_195 {strides = array<i32>} : memref<16xf32, #tpu.memory_space<vmem>>, vector<16xf32>,
      %gather3A_198 = tpu.vector_load_idx %arg18[%min3A_158] : memref<16xf32, #tpu.memory_space<vmem>>[vector<16xi32>], vector<16xf32>,
      %bitcast3A_199 = vector.bitcast %gather3A_198 : vector<16xf32> to vector<16xi32>
      %bitcast3A_200 = vector.bitcast %masked_sort3A_151 : vector<16xi32> to vector<16xf32>
      %swap3A_201 = arith.constant 0 : index
      %swap3A_202 = tpu.vector_load %arg18[%swap3A_201] {strides = array<i32>} : memref<16xf32, #tpu.memory_space<vmem>>, vector<16xf32>,
      tpu.vector_store %arg18[%swap3A_201], %bitcast3A_200 {strides = array<i32>} : memref<16xf32, #tpu.memory_space<vmem>>, vector<16xf32>,
      %gather3A_203 = tpu.vector_load_idx %arg18[%min3A_167] : memref<16xf32, #tpu.memory_space<vmem>>[vector<16xi32>], vector<16xf32>,
      %bitcast3A_204 = vector.bitcast %gather3A_203 : vector<16xf32> to vector<16xi32>
      %select_n3A_205 = arith.select %lt3A_194, %bitcast3A_199, %bitcast3A_204 : vector<16xi1>, vector<16xi32>
      %select_n3A_206 = arith.select %lt3A_186, %bitcast3A_191, %select_n3A_205 : vector<16xi1>, vector<16xi32>
      %masked_sort3A_207 = arith.constant dense<true> : vector<16xi1>
      %masked_sort3A_208, %masked_sort3A_209, %masked_sort3A_210 = tpu.sort %select_n3A_183, %select_n3A_206 masked %masked_sort3A_207 {descending = true} : (vector<16xf32>, vector<16xi32>, vector<16xi1>) -> (vector<16xi1>, vector<16xf32>, vector<16xi32>)
      %jit3A_211 = arith.constant 3 : i32
      %div3A = vector.broadcast %jit3A_211 : i32 to vector<16xi32>
      %div3A_212 = arith.divsi %iota3A, %div3A : vector<16xi32>
      %sign3A = arith.constant 0 : i32
      %sign3A_213 = vector.broadcast %sign3A : i32 to vector<16xi32>
      %sign3A_214 = arith.cmpi sgt, %iota3A, %sign3A_213 : vector<16xi32>
      %sign3A_215 = arith.extui %sign3A_214 : vector<16xi1> to vector<16xi32>
      %sign3A_216 = arith.constant 0 : i32
      %sign3A_217 = vector.broadcast %sign3A_216 : i32 to vector<16xi32>
      %sign3A_218 = arith.cmpi slt, %iota3A, %sign3A_217 : vector<16xi32>
      %sign3A_219 = arith.extui %sign3A_218 : vector<16xi1> to vector<16xi32>
      %sign3A_220 = arith.subi %sign3A_215, %sign3A_219 : vector<16xi32>
      %sign3A_221 = arith.constant 0 : i32
      %sign3A_222 = arith.cmpi sgt, %jit3A_211, %sign3A_221 : i32
      %sign3A_223 = arith.extui %sign3A_222 : i1 to i32
      %sign3A_224 = arith.constant 0 : i32
      %sign3A_225 = arith.cmpi slt, %jit3A_211, %sign3A_224 : i32
      %sign3A_226 = arith.extui %sign3A_225 : i1 to i32
      %sign3A_227 = arith.subi %sign3A_223, %sign3A_226 : i32
      %ne3A = vector.broadcast %sign3A_227 : i32 to vector<16xi32>
      %ne3A_228 = arith.cmpi ne, %sign3A_220, %ne3A : vector<16xi32>
      %rem3A = vector.broadcast %jit3A_211 : i32 to vector<16xi32>
      %rem3A_229 = arith.remsi %iota3A, %rem3A : vector<16xi32>
      %ne3A_230 = arith.constant 0 : i32
      %ne3A_231 = vector.broadcast %ne3A_230 : i32 to vector<16xi32>
      %ne3A_232 = arith.cmpi ne, %rem3A_229, %ne3A_231 : vector<16xi32>
      %and3A_233 = arith.andi %ne3A_228, %ne3A_232 : vector<16xi1>
      %sub3A_234 = arith.constant 1 : i32
      %sub3A_235 = vector.broadcast %sub3A_234 : i32 to vector<16xi32>
      %sub3A_236 = arith.subi %div3A_212, %sub3A_235 : vector<16xi32>
      %select_n3A_237 = arith.select %and3A_233, %sub3A_236, %div3A_212 : vector<16xi1>, vector<16xi32>
      %mul3A_238 = arith.constant 3 : i32
      %mul3A_239 = vector.broadcast %mul3A_238 : i32 to vector<16xi32>
      %mul3A_240 = arith.muli %select_n3A_237, %mul3A_239 : vector<16xi32>
      %sub3A_241 = arith.subi %iota3A, %mul3A_240 : vector<16xi32>
      %swap3A_242 = arith.constant 0 : index
      %swap3A_243 = tpu.vector_load %arg18[%swap3A_242] {strides = array<i32>} : memref<16xf32, #tpu.memory_space<vmem>>, vector<16xf32>,
      tpu.vector_store %arg18[%swap3A_242], %masked_sort3A_209 {strides = array<i32>} : memref<16xf32, #tpu.memory_space<vmem>>, vector<16xf32>,
      %gather3A_244 = tpu.vector_load_idx %arg18[%select_n3A_237] : memref<16xf32, #tpu.memory_space<vmem>>[vector<16xi32>], vector<16xf32>,
      %bitcast3A_245 = vector.bitcast %masked_sort3A_210 : vector<16xi32> to vector<16xf32>
      %swap3A_246 = arith.constant 0 : index
      %swap3A_247 = tpu.vector_load %arg18[%swap3A_246] {strides = array<i32>} : memref<16xf32, #tpu.memory_space<vmem>>, vector<16xf32>,
      tpu.vector_store %arg18[%swap3A_246], %bitcast3A_245 {strides = array<i32>} : memref<16xf32, #tpu.memory_space<vmem>>, vector<16xf32>,
      %gather3A_248 = tpu.vector_load_idx %arg18[%select_n3A_237] : memref<16xf32, #tpu.memory_space<vmem>>[vector<16xi32>], vector<16xf32>,
      %bitcast3A_249 = vector.bitcast %gather3A_248 : vector<16xf32> to vector<16xi32>
      %neg3A = arith.constant 0.000000e+00 : f32
      %neg3A_250 = vector.broadcast %neg3A : f32 to vector<16xf32>
      %neg3A_251 = arith.subf %neg3A_250, %gather3A_244 : vector<16xf32>
      %exp3A = math.exp %neg3A_251 : vector<16xf32>
      %add3A_252 = arith.constant 1.000000e+00 : f32
      %add3A_253 = vector.broadcast %add3A_252 : f32 to vector<16xf32>
      %add3A_254 = arith.addf %add3A_253, %exp3A : vector<16xf32>
      %div3A_255 = arith.constant 1.000000e+00 : f32
      %div3A_256 = vector.broadcast %div3A_255 : f32 to vector<16xf32>
      %div3A_257 = arith.divf %div3A_256, %add3A_254 : vector<16xf32>
      %broadcast_in_dim3A_258 = arith.constant 0 : i32
      %broadcast_in_dim3A_259 = vector.broadcast %broadcast_in_dim3A_258 : i32 to vector<16xi32>
      %broadcast_in_dim3A_260 = arith.constant 0.000000e+00 : f32
      %broadcast_in_dim3A_261 = vector.broadcast %broadcast_in_dim3A_260 : f32 to vector<16xf32>
      %add3A_262 = arith.addi %bitcast3A_249, %sub3A_241 : vector<16xi32>
      %lt3A_263 = arith.constant 15 : i32
      %lt3A_264 = vector.broadcast %lt3A_263 : i32 to vector<16xi32>
      %lt3A_265 = arith.cmpi slt, %iota3A, %lt3A_264 : vector<16xi32>
      %convert_element_type3A_266 = arith.extui %lt3A_265 : vector<16xi1> to vector<16xi32>
      %while3A:7 = scf.while (%while3A_457 = %add3A_262, %while3A_458 = %convert_element_type3A_266, %while3A_459 = %broadcast_in_dim3A_259, %while3A_460 = %broadcast_in_dim3A_261, %while3A_461 = %broadcast_in_dim3A_261, %while3A_462 = %broadcast_in_dim3A_259, %while3A_463 = %broadcast_in_dim3A_261) : (vector<16xi32>, vector<16xi32>, vector<16xi32>, vector<16xf32>, vector<16xf32>, vector<16xi32>, vector<16xf32>) -> (vector<16xi32>, vector<16xi32>, vector<16xi32>, vector<16xf32>, vector<16xf32>, vector<16xi32>, vector<16xf32>) {
        %ne3A_464 = arith.constant 0 : i32
        %ne3A_465 = vector.broadcast %ne3A_464 : i32 to vector<16xi32>
        %ne3A_466 = arith.cmpi ne, %while3A_458, %ne3A_465 : vector<16xi32>
        %reduce_or3A = arith.constant 1.000000e+00 : f32
        %reduce_or3A_467 = arith.constant 0.000000e+00 : f32
        %reduce_or3A_468 = vector.broadcast %reduce_or3A : f32 to vector<16xf32>
        %reduce_or3A_469 = vector.broadcast %reduce_or3A_467 : f32 to vector<16xf32>
        %reduce_or3A_470 = arith.select %ne3A_466, %reduce_or3A_468, %reduce_or3A_469 : vector<16xi1>, vector<16xf32>
        %reduce_or3A_471 = arith.constant true
        %reduce_or3A_472 = vector.broadcast %reduce_or3A_471 : i1 to vector<16xi1>
        %reduce_or3A_473 = tpu.scan <max>, %reduce_or3A_470 masked %reduce_or3A_472 : vector<16xf32>, vector<16xi1> -> vector<16xf32>
        %reduce_or3A_474 = vector.extract %reduce_or3A_473[15] : f32 from vector<16xf32>
        %reduce_or3A_475 = arith.constant 0.000000e+00 : f32
        %reduce_or3A_476 = arith.cmpf ogt, %reduce_or3A_474, %reduce_or3A_475 : f32
        scf.condition(%reduce_or3A_476) %while3A_457, %while3A_458, %while3A_459, %while3A_460, %while3A_461, %while3A_462, %while3A_463 : vector<16xi32>, vector<16xi32>, vector<16xi32>, vector<16xf32>, vector<16xf32>, vector<16xi32>, vector<16xf32>
      } do {
      ^bb0(%while3A_457: vector<16xi32>, %while3A_458: vector<16xi32>, %while3A_459: vector<16xi32>, %while3A_460: vector<16xf32>, %while3A_461: vector<16xf32>, %while3A_462: vector<16xi32>, %while3A_463: vector<16xf32>):
        %ne3A_464 = arith.constant 0 : i32
        %ne3A_465 = vector.broadcast %ne3A_464 : i32 to vector<16xi32>
        %ne3A_466 = arith.cmpi ne, %while3A_458, %ne3A_465 : vector<16xi32>
        %lt3A_467 = arith.constant 3200 : i32
        %lt3A_468 = vector.broadcast %lt3A_467 : i32 to vector<16xi32>
        %lt3A_469 = arith.cmpi slt, %while3A_457, %lt3A_468 : vector<16xi32>
        %and3A_470 = arith.andi %ne3A_466, %lt3A_469 : vector<16xi1>
        %min3A_471 = arith.constant 3199 : i32
        %min3A_472 = vector.broadcast %min3A_471 : i32 to vector<16xi32>
        %min3A_473 = arith.minsi %while3A_457, %min3A_472 : vector<16xi32>
        %mul3A_474 = arith.constant 1311 : i32
        %mul3A_475 = vector.broadcast %mul3A_474 : i32 to vector<16xi32>
        %mul3A_476 = arith.muli %min3A_473, %mul3A_475 : vector<16xi32>
        %shift_right_logical3A_477 = arith.constant 19 : i32
        %shift_right_logical3A_478 = vector.broadcast %shift_right_logical3A_477 : i32 to vector<16xi32>
        %shift_right_logical3A_479 = arith.shrui %mul3A_476, %shift_right_logical3A_478 : vector<16xi32>
        %mul3A_480 = arith.constant 600 : i32
        %mul3A_481 = vector.broadcast %mul3A_480 : i32 to vector<16xi32>
        %mul3A_482 = arith.muli %mul3A_481, %shift_right_logical3A_479 : vector<16xi32>
        %add3A_483 = arith.addi %min3A_473, %mul3A_482 : vector<16xi32>
        %gather3A_484 = tpu.vector_load_idx %arg11[%add3A_483] : memref<7400xf32, #tpu.memory_space<vmem>>[vector<16xi32>], vector<16xf32>,
        %gt3A = arith.constant 0.000000e+00 : f32
        %gt3A_485 = vector.broadcast %gt3A : f32 to vector<16xf32>
        %gt3A_486 = arith.cmpf ogt, %gather3A_484, %gt3A_485 : vector<16xf32>
        %and3A_487 = arith.andi %and3A_470, %gt3A_486 : vector<16xi1>
        %mul3A_488 = arith.constant 3 : i32
        %mul3A_489 = vector.broadcast %mul3A_488 : i32 to vector<16xi32>
        %mul3A_490 = arith.muli %min3A_473, %mul3A_489 : vector<16xi32>
        %gather3A_491 = tpu.vector_load_idx %arg12[%mul3A_490] : memref<9600xf32, #tpu.memory_space<vmem>>[vector<16xi32>], vector<16xf32>,
        %add3A_492 = arith.constant 1 : i32
        %add3A_493 = vector.broadcast %add3A_492 : i32 to vector<16xi32>
        %add3A_494 = arith.addi %mul3A_490, %add3A_493 : vector<16xi32>
        %gather3A_495 = tpu.vector_load_idx %arg12[%add3A_494] : memref<9600xf32, #tpu.memory_space<vmem>>[vector<16xi32>], vector<16xf32>,
        %add3A_496 = arith.constant 2 : i32
        %add3A_497 = vector.broadcast %add3A_496 : i32 to vector<16xi32>
        %add3A_498 = arith.addi %mul3A_490, %add3A_497 : vector<16xi32>
        %gather3A_499 = tpu.vector_load_idx %arg12[%add3A_498] : memref<9600xf32, #tpu.memory_space<vmem>>[vector<16xi32>], vector<16xf32>,
        %max3A_500 = arith.maximumf %gather3A_491, %gather3A_495 : vector<16xf32>
        %max3A_501 = arith.maximumf %max3A_500, %gather3A_499 : vector<16xf32>
        %sub3A_502 = arith.subf %gather3A_491, %max3A_501 : vector<16xf32>
        %exp3A_503 = math.exp %sub3A_502 : vector<16xf32>
        %sub3A_504 = arith.subf %gather3A_495, %max3A_501 : vector<16xf32>
        %exp3A_505 = math.exp %sub3A_504 : vector<16xf32>
        %sub3A_506 = arith.subf %gather3A_499, %max3A_501 : vector<16xf32>
        %exp3A_507 = math.exp %sub3A_506 : vector<16xf32>
        %eq3A_508 = arith.constant 0 : i32
        %eq3A_509 = vector.broadcast %eq3A_508 : i32 to vector<16xi32>
        %eq3A_510 = arith.cmpi eq, %sub3A_241, %eq3A_509 : vector<16xi32>
        %eq3A_511 = arith.constant 1 : i32
        %eq3A_512 = vector.broadcast %eq3A_511 : i32 to vector<16xi32>
        %eq3A_513 = arith.cmpi eq, %sub3A_241, %eq3A_512 : vector<16xi32>
        %select_n3A_514 = arith.select %eq3A_513, %exp3A_505, %exp3A_507 : vector<16xi1>, vector<16xf32>
        %select_n3A_515 = arith.select %eq3A_510, %exp3A_503, %select_n3A_514 : vector<16xi1>, vector<16xf32>
        %add3A_516 = arith.addf %exp3A_503, %exp3A_505 : vector<16xf32>
        %add3A_517 = arith.addf %add3A_516, %exp3A_507 : vector<16xf32>
        %div3A_518 = arith.divf %select_n3A_515, %add3A_517 : vector<16xf32>
        %add3A_519 = arith.addf %while3A_460, %div3A_518 : vector<16xf32>
        %select_n3A_520 = arith.select %and3A_470, %add3A_519, %while3A_460 : vector<16xi1>, vector<16xf32>
        %add3A_521 = arith.constant 1.000000e+00 : f32
        %add3A_522 = vector.broadcast %add3A_521 : f32 to vector<16xf32>
        %add3A_523 = arith.addf %while3A_461, %add3A_522 : vector<16xf32>
        %select_n3A_524 = arith.select %and3A_470, %add3A_523, %while3A_461 : vector<16xi1>, vector<16xf32>
        %select_n3A_525 = arith.select %and3A_487, %while3A_457, %while3A_462 : vector<16xi1>, vector<16xi32>
        %select_n3A_526 = arith.select %and3A_487, %gather3A_484, %while3A_463 : vector<16xi1>, vector<16xf32>
        %jit3A_527 = arith.constant 1 : i32
        %broadcast_in_dim3A_528 = vector.broadcast %jit3A_527 : i32 to vector<16xi32>
        %select_n3A_529 = arith.select %and3A_487, %broadcast_in_dim3A_528, %while3A_459 : vector<16xi1>, vector<16xi32>
        %not3A = arith.constant dense<true> : vector<16xi1>
        %not3A_530 = arith.xori %and3A_487, %not3A : vector<16xi1>
        %and3A_531 = arith.andi %and3A_470, %not3A_530 : vector<16xi1>
        %convert_element_type3A_532 = arith.extui %and3A_531 : vector<16xi1> to vector<16xi32>
        %add3A_533 = arith.constant 3 : i32
        %add3A_534 = vector.broadcast %add3A_533 : i32 to vector<16xi32>
        %add3A_535 = arith.addi %while3A_457, %add3A_534 : vector<16xi32>
        scf.yield %add3A_535, %convert_element_type3A_532, %select_n3A_529, %select_n3A_520, %select_n3A_524, %select_n3A_525, %select_n3A_526 : vector<16xi32>, vector<16xi32>, vector<16xi32>, vector<16xf32>, vector<16xf32>, vector<16xi32>, vector<16xf32>
      }
      %max3A_267 = arith.constant 1.000000e+00 : f32
      %max3A_268 = vector.broadcast %max3A_267 : f32 to vector<16xf32>
      %max3A_269 = arith.maximumf %while3A#4, %max3A_268 : vector<16xf32>
      %div3A_270 = arith.divf %while3A#3, %max3A_269 : vector<16xf32>
      %neg3A_271 = arith.constant 0.000000e+00 : f32
      %neg3A_272 = vector.broadcast %neg3A_271 : f32 to vector<16xf32>
      %neg3A_273 = arith.subf %neg3A_272, %while3A#6 : vector<16xf32>
      %exp3A_274 = math.exp %neg3A_273 : vector<16xf32>
      %add3A_275 = arith.constant 1.000000e+00 : f32
      %add3A_276 = vector.broadcast %add3A_275 : f32 to vector<16xf32>
      %add3A_277 = arith.addf %add3A_276, %exp3A_274 : vector<16xf32>
      %div3A_278 = arith.constant 1.000000e+00 : f32
      %div3A_279 = vector.broadcast %div3A_278 : f32 to vector<16xf32>
      %div3A_280 = arith.divf %div3A_279, %add3A_277 : vector<16xf32>
      %mul3A_281 = arith.constant 5.000000e-01 : f32
      %mul3A_282 = vector.broadcast %mul3A_281 : f32 to vector<16xf32>
      %mul3A_283 = arith.mulf %mul3A_282, %div3A_257 : vector<16xf32>
      %mul3A_284 = arith.constant 5.000000e-01 : f32
      %mul3A_285 = vector.broadcast %mul3A_284 : f32 to vector<16xf32>
      %mul3A_286 = arith.mulf %mul3A_285, %div3A_270 : vector<16xf32>
      %add3A_287 = arith.addf %mul3A_283, %mul3A_286 : vector<16xf32>
      %mul3A_288 = arith.constant 5.000000e-01 : f32
      %mul3A_289 = vector.broadcast %mul3A_288 : f32 to vector<16xf32>
      %mul3A_290 = arith.mulf %mul3A_289, %div3A_280 : vector<16xf32>
      %add3A_291 = arith.addf %add3A_287, %mul3A_290 : vector<16xf32>
      %lt3A_292 = arith.constant 2745 : i32
      %lt3A_293 = vector.broadcast %lt3A_292 : i32 to vector<16xi32>
      %lt3A_294 = arith.cmpi slt, %while3A#5, %lt3A_293 : vector<16xi32>
      %sub3A_295 = arith.constant 6.000000e-01 : f32
      %sub3A_296 = vector.broadcast %sub3A_295 : f32 to vector<16xf32>
      %sub3A_297 = arith.subf %add3A_291, %sub3A_296 : vector<16xf32>
      %select_n3A_298 = arith.select %lt3A_294, %sub3A_297, %add3A_291 : vector<16xi1>, vector<16xf32>
      %ne3A_299 = arith.constant 0 : i32
      %ne3A_300 = vector.broadcast %ne3A_299 : i32 to vector<16xi32>
      %ne3A_301 = arith.cmpi ne, %while3A#2, %ne3A_300 : vector<16xi32>
      %mul3A_302 = arith.constant 5.000000e-01 : f32
      %mul3A_303 = vector.broadcast %mul3A_302 : f32 to vector<16xf32>
      %mul3A_304 = arith.mulf %mul3A_303, %div3A_257 : vector<16xf32>
      %sub3A_305 = arith.constant 6.000000e-01 : f32
      %sub3A_306 = vector.broadcast %sub3A_305 : f32 to vector<16xf32>
      %sub3A_307 = arith.subf %mul3A_304, %sub3A_306 : vector<16xf32>
      %select_n3A_308 = arith.select %ne3A_301, %select_n3A_298, %sub3A_307 : vector<16xi1>, vector<16xf32>
      %lt3A_309 = arith.constant 15 : i32
      %lt3A_310 = vector.broadcast %lt3A_309 : i32 to vector<16xi32>
      %lt3A_311 = arith.cmpi slt, %iota3A, %lt3A_310 : vector<16xi32>
      %jit3A_312 = arith.constant 0xFF800000 : f32
      %broadcast_in_dim3A_313 = vector.broadcast %jit3A_312 : f32 to vector<16xf32>
      %select_n3A_314 = arith.select %lt3A_311, %select_n3A_308, %broadcast_in_dim3A_313 : vector<16xi1>, vector<16xf32>
      %reduce_max3A = arith.constant true
      %reduce_max3A_315 = vector.broadcast %reduce_max3A : i1 to vector<16xi1>
      %reduce_max3A_316 = tpu.scan <max>, %select_n3A_314 masked %reduce_max3A_315 : vector<16xf32>, vector<16xi1> -> vector<16xf32>
      %reduce_max3A_317 = vector.extract %reduce_max3A_316[15] : f32 from vector<16xf32>
      %max3A_318 = arith.constant 0.000000e+00 : f32
      %max3A_319 = arith.maximumf %reduce_max3A_317, %max3A_318 : f32
      %le3A_320 = arith.constant 6 : i32
      %le3A_321 = vector.broadcast %le3A_320 : i32 to vector<16xi32>
      %le3A_322 = arith.cmpi sle, %iota3A, %le3A_321 : vector<16xi32>
      %add3A_323 = arith.constant 128 : i32
      %add3A_324 = vector.broadcast %add3A_323 : i32 to vector<16xi32>
      %add3A_325 = arith.addi %add3A_324, %iota3A : vector<16xi32>
      %le3A_326 = arith.constant 13 : i32
      %le3A_327 = vector.broadcast %le3A_326 : i32 to vector<16xi32>
      %le3A_328 = arith.cmpi sle, %iota3A, %le3A_327 : vector<16xi32>
      %add3A_329 = arith.constant 137 : i32
      %add3A_330 = vector.broadcast %add3A_329 : i32 to vector<16xi32>
      %add3A_331 = arith.addi %add3A_330, %iota3A : vector<16xi32>
      %eq3A_332 = arith.constant 14 : i32
      %eq3A_333 = vector.broadcast %eq3A_332 : i32 to vector<16xi32>
      %eq3A_334 = arith.cmpi eq, %iota3A, %eq3A_333 : vector<16xi32>
      %jit3A_335 = arith.constant 160 : i32
      %jit3A_336 = arith.constant 161 : i32
      %broadcast_in_dim3A_337 = vector.broadcast %jit3A_335 : i32 to vector<16xi32>
      %broadcast_in_dim3A_338 = vector.broadcast %jit3A_336 : i32 to vector<16xi32>
      %select_n3A_339 = arith.select %eq3A_334, %broadcast_in_dim3A_337, %broadcast_in_dim3A_338 : vector<16xi1>, vector<16xi32>
      %select_n3A_340 = arith.select %le3A_328, %add3A_331, %select_n3A_339 : vector<16xi1>, vector<16xi32>
      %select_n3A_341 = arith.select %le3A_322, %add3A_325, %select_n3A_340 : vector<16xi1>, vector<16xi32>
      %gather3A_342 = tpu.vector_load_idx %arg17[%select_n3A_341] : memref<256xf32, #tpu.memory_space<vmem>>[vector<16xi32>], vector<16xf32>,
      %neg3A_343 = arith.constant 0.000000e+00 : f32
      %neg3A_344 = vector.broadcast %neg3A_343 : f32 to vector<16xf32>
      %neg3A_345 = arith.subf %neg3A_344, %gather3A_342 : vector<16xf32>
      %exp3A_346 = math.exp %neg3A_345 : vector<16xf32>
      %add3A_347 = arith.constant 1.000000e+00 : f32
      %add3A_348 = vector.broadcast %add3A_347 : f32 to vector<16xf32>
      %add3A_349 = arith.addf %add3A_348, %exp3A_346 : vector<16xf32>
      %div3A_350 = arith.constant 1.000000e+00 : f32
      %div3A_351 = vector.broadcast %div3A_350 : f32 to vector<16xf32>
      %div3A_352 = arith.divf %div3A_351, %add3A_349 : vector<16xf32>
      %add3A_353 = arith.constant 9.99999971E-10 : f32
      %add3A_354 = vector.broadcast %add3A_353 : f32 to vector<16xf32>
      %add3A_355 = arith.addf %div3A_352, %add3A_354 : vector<16xf32>
      %bitcast3A_356 = vector.bitcast %add3A_355 : vector<16xf32> to vector<16xi32>
      %convert_element_type3A_357 = arith.sitofp %bitcast3A_356 : vector<16xi32> to vector<16xf32>
      %mul3A_358 = arith.constant 1.1920929E-7 : f32
      %mul3A_359 = vector.broadcast %mul3A_358 : f32 to vector<16xf32>
      %mul3A_360 = arith.mulf %convert_element_type3A_357, %mul3A_359 : vector<16xf32>
      %sub3A_361 = arith.constant 127.045052 : f32
      %sub3A_362 = vector.broadcast %sub3A_361 : f32 to vector<16xf32>
      %sub3A_363 = arith.subf %mul3A_360, %sub3A_362 : vector<16xf32>
      %mul3A_364 = arith.constant 0.693147182 : f32
      %mul3A_365 = vector.broadcast %mul3A_364 : f32 to vector<16xf32>
      %mul3A_366 = arith.mulf %sub3A_363, %mul3A_365 : vector<16xf32>
      %scan3A = arith.constant 0 : i32
      %scan3A_367 = arith.constant 4 : i32
      %scan3A_368 = arith.addi %scan3A, %scan3A_367 : i32
      %scan3A_369 = arith.constant 1 : i32
      %scan3A_370 = scf.for %scan3A_457 = %scan3A to %scan3A_368 step %scan3A_369 iter_args(%scan3A_458 = %mul3A_366) -> (vector<16xf32>)  : i32 {
        %neg3A_459 = arith.constant 0.000000e+00 : f32
        %neg3A_460 = vector.broadcast %neg3A_459 : f32 to vector<16xf32>
        %neg3A_461 = arith.subf %neg3A_460, %scan3A_458 : vector<16xf32>
        %exp3A_462 = math.exp %neg3A_461 : vector<16xf32>
        %mul3A_463 = arith.mulf %add3A_355, %exp3A_462 : vector<16xf32>
        %add3A_464 = arith.addf %scan3A_458, %mul3A_463 : vector<16xf32>
        %sub3A_465 = arith.constant 1.000000e+00 : f32
        %sub3A_466 = vector.broadcast %sub3A_465 : f32 to vector<16xf32>
        %sub3A_467 = arith.subf %add3A_464, %sub3A_466 : vector<16xf32>
        scf.yield %sub3A_467 : vector<16xf32>
      }
      %scan3A_371 = arith.constant 4 : i32
      %get3A = arith.constant 160 : index
      %get3A_372 = tpu.vector_load %arg17[%get3A] {strides = array<i32>} : memref<256xf32, #tpu.memory_space<vmem>>, vector<16xf32>,
      %lt3A_373 = arith.constant 14 : i32
      %lt3A_374 = vector.broadcast %lt3A_373 : i32 to vector<16xi32>
      %lt3A_375 = arith.cmpi slt, %iota3A, %lt3A_374 : vector<16xi32>
      %jit3A_376 = arith.constant 0.000000e+00 : f32
      %broadcast_in_dim3A_377 = vector.broadcast %jit3A_376 : f32 to vector<16xf32>
      %select_n3A_378 = arith.select %lt3A_375, %scan3A_370, %broadcast_in_dim3A_377 : vector<16xi1>, vector<16xf32>
      %reduce_sum3A = arith.constant true
      %reduce_sum3A_379 = vector.broadcast %reduce_sum3A : i1 to vector<16xi1>
      %reduce_sum3A_380 = tpu.scan <sum>, %select_n3A_378 masked %reduce_sum3A_379 : vector<16xf32>, vector<16xi1> -> vector<16xf32>
      %reduce_sum3A_381 = vector.extract %reduce_sum3A_380[15] : f32 from vector<16xf32>
      %mul3A_382 = arith.constant 0.0714285746 : f32
      %mul3A_383 = arith.mulf %reduce_sum3A_381, %mul3A_382 : f32
      %eq3A_384 = arith.constant 14 : i32
      %eq3A_385 = vector.broadcast %eq3A_384 : i32 to vector<16xi32>
      %eq3A_386 = arith.cmpi eq, %iota3A, %eq3A_385 : vector<16xi32>
      %jit3A_387 = arith.constant 0.000000e+00 : f32
      %broadcast_in_dim3A_388 = vector.broadcast %jit3A_387 : f32 to vector<16xf32>
      %select_n3A_389 = arith.select %eq3A_386, %scan3A_370, %broadcast_in_dim3A_388 : vector<16xi1>, vector<16xf32>
      %reduce_sum3A_390 = arith.constant true
      %reduce_sum3A_391 = vector.broadcast %reduce_sum3A_390 : i1 to vector<16xi1>
      %reduce_sum3A_392 = tpu.scan <sum>, %select_n3A_389 masked %reduce_sum3A_391 : vector<16xf32>, vector<16xi1> -> vector<16xf32>
      %reduce_sum3A_393 = vector.extract %reduce_sum3A_392[15] : f32 from vector<16xf32>
      %eq3A_394 = arith.constant 15 : i32
      %eq3A_395 = vector.broadcast %eq3A_394 : i32 to vector<16xi32>
      %eq3A_396 = arith.cmpi eq, %iota3A, %eq3A_395 : vector<16xi32>
      %jit3A_397 = arith.constant 0.000000e+00 : f32
      %broadcast_in_dim3A_398 = vector.broadcast %jit3A_397 : f32 to vector<16xf32>
      %select_n3A_399 = arith.select %eq3A_396, %scan3A_370, %broadcast_in_dim3A_398 : vector<16xi1>, vector<16xf32>
      %reduce_sum3A_400 = arith.constant true
      %reduce_sum3A_401 = vector.broadcast %reduce_sum3A_400 : i1 to vector<16xi1>
      %reduce_sum3A_402 = tpu.scan <sum>, %select_n3A_399 masked %reduce_sum3A_401 : vector<16xf32>, vector<16xi1> -> vector<16xf32>
      %reduce_sum3A_403 = vector.extract %reduce_sum3A_402[15] : f32 from vector<16xf32>
      %eq3A_404 = arith.constant 4 : i32
      %eq3A_405 = vector.broadcast %eq3A_404 : i32 to vector<16xi32>
      %eq3A_406 = arith.cmpi eq, %iota3A, %eq3A_405 : vector<16xi32>
      %jit3A_407 = arith.constant 0.000000e+00 : f32
      %broadcast_in_dim3A_408 = vector.broadcast %jit3A_407 : f32 to vector<16xf32>
      %select_n3A_409 = arith.select %eq3A_406, %get3A_372, %broadcast_in_dim3A_408 : vector<16xi1>, vector<16xf32>
      %reduce_sum3A_410 = arith.constant true
      %reduce_sum3A_411 = vector.broadcast %reduce_sum3A_410 : i1 to vector<16xi1>
      %reduce_sum3A_412 = tpu.scan <sum>, %select_n3A_409 masked %reduce_sum3A_411 : vector<16xf32>, vector<16xi1> -> vector<16xf32>
      %reduce_sum3A_413 = vector.extract %reduce_sum3A_412[15] : f32 from vector<16xf32>
      %mul3A_414 = arith.mulf %reduce_sum3A_413, %mul3A_383 : f32
      %eq3A_415 = arith.constant 5 : i32
      %eq3A_416 = vector.broadcast %eq3A_415 : i32 to vector<16xi32>
      %eq3A_417 = arith.cmpi eq, %iota3A, %eq3A_416 : vector<16xi32>
      %jit3A_418 = arith.constant 0.000000e+00 : f32
      %broadcast_in_dim3A_419 = vector.broadcast %jit3A_418 : f32 to vector<16xf32>
      %select_n3A_420 = arith.select %eq3A_417, %get3A_372, %broadcast_in_dim3A_419 : vector<16xi1>, vector<16xf32>
      %reduce_sum3A_421 = arith.constant true
      %reduce_sum3A_422 = vector.broadcast %reduce_sum3A_421 : i1 to vector<16xi1>
      %reduce_sum3A_423 = tpu.scan <sum>, %select_n3A_420 masked %reduce_sum3A_422 : vector<16xf32>, vector<16xi1> -> vector<16xf32>
      %reduce_sum3A_424 = vector.extract %reduce_sum3A_423[15] : f32 from vector<16xf32>
      %mul3A_425 = arith.mulf %reduce_sum3A_424, %reduce_sum3A_393 : f32
      %add3A_426 = arith.addf %mul3A_414, %mul3A_425 : f32
      %eq3A_427 = arith.constant 6 : i32
      %eq3A_428 = vector.broadcast %eq3A_427 : i32 to vector<16xi32>
      %eq3A_429 = arith.cmpi eq, %iota3A, %eq3A_428 : vector<16xi32>
      %jit3A_430 = arith.constant 0.000000e+00 : f32
      %broadcast_in_dim3A_431 = vector.broadcast %jit3A_430 : f32 to vector<16xf32>
      %select_n3A_432 = arith.select %eq3A_429, %get3A_372, %broadcast_in_dim3A_431 : vector<16xi1>, vector<16xf32>
      %reduce_sum3A_433 = arith.constant true
      %reduce_sum3A_434 = vector.broadcast %reduce_sum3A_433 : i1 to vector<16xi1>
      %reduce_sum3A_435 = tpu.scan <sum>, %select_n3A_432 masked %reduce_sum3A_434 : vector<16xf32>, vector<16xi1> -> vector<16xf32>
      %reduce_sum3A_436 = vector.extract %reduce_sum3A_435[15] : f32 from vector<16xf32>
      %mul3A_437 = arith.mulf %reduce_sum3A_436, %reduce_sum3A_403 : f32
      %add3A_438 = arith.addf %add3A_426, %mul3A_437 : f32
      %eq3A_439 = arith.constant 7 : i32
      %eq3A_440 = vector.broadcast %eq3A_439 : i32 to vector<16xi32>
      %eq3A_441 = arith.cmpi eq, %iota3A, %eq3A_440 : vector<16xi32>
      %jit3A_442 = arith.constant 0.000000e+00 : f32
      %broadcast_in_dim3A_443 = vector.broadcast %jit3A_442 : f32 to vector<16xf32>
      %select_n3A_444 = arith.select %eq3A_441, %get3A_372, %broadcast_in_dim3A_443 : vector<16xi1>, vector<16xf32>
      %reduce_sum3A_445 = arith.constant true
      %reduce_sum3A_446 = vector.broadcast %reduce_sum3A_445 : i1 to vector<16xi1>
      %reduce_sum3A_447 = tpu.scan <sum>, %select_n3A_444 masked %reduce_sum3A_446 : vector<16xf32>, vector<16xi1> -> vector<16xf32>
      %reduce_sum3A_448 = vector.extract %reduce_sum3A_447[15] : f32 from vector<16xf32>
      %mul3A_449 = arith.mulf %reduce_sum3A_448, %max3A_319 : f32
      %add3A_450 = arith.addf %add3A_438, %mul3A_449 : f32
      %broadcast_in_dim3A_451 = arith.constant 0.000000e+00 : f32
      %broadcast_in_dim3A_452 = vector.broadcast %broadcast_in_dim3A_451 : f32 to vector<16xf32>
      %add3A_453 = vector.broadcast %add3A_450 : f32 to vector<16xf32>
      %add3A_454 = arith.addf %broadcast_in_dim3A_452, %add3A_453 : vector<16xf32>
      %swap3A_455 = arith.constant 0 : index
      %swap3A_456 = tpu.vector_load %arg20[%swap3A_455] {strides = array<i32>} : memref<16xf32, #tpu.memory_space<vmem>>, vector<16xf32>,
      tpu.vector_store %arg20[%swap3A_455], %add3A_454 {strides = array<i32>} : memref<16xf32, #tpu.memory_space<vmem>>, vector<16xf32>,
      "tpu.region"() ({
        %run_scoped3A = tpu.sem_alloc : memref<!tpu.dma_semaphore, #tpu.memory_space<semaphore_mem>>
        tpu.enqueue_dma source(%arg20 : memref<16xf32, #tpu.memory_space<vmem>>) target(%arg10 : memref<16xf32, #tpu.memory_space<hbm>>) target_semaphore(%run_scoped3A : memref<!tpu.dma_semaphore, #tpu.memory_space<semaphore_mem>>)
        tpu.wait_dma2 semaphore(%run_scoped3A : memref<!tpu.dma_semaphore, #tpu.memory_space<semaphore_mem>>) src(%arg20 : memref<16xf32, #tpu.memory_space<vmem>>) dst(%arg10 : memref<16xf32, #tpu.memory_space<hbm>>)
        tpu.yield
      }) : () -> ()
    } else {
    }
    return
  }
}

</mosaic_0001>

<sc_bundles>
// kernel: _scband_run.3.cloned.1.call-start
scs
__scs_entry_jumppad:
0x0: {  	(pc) =	sbr.rel $0x88, $3  }
0x1: {  	(tag) =	ssettag $0x0;
	lr =	simm.s32 $0x1  }
0x2: {  	[smem:$0x3F99] =	sst lr;
	_ =	strace $0xD0000000  }
0x3: {  	_ = 	snop  }
0x4: {  	_ = 	snop  }
0x5: {  	_ = 	snop  }
0x6: {  	_ = 	snop  }
0x7: {  	_ = 	snop  }
__scs_overlays_trampoline_lowered:
0x8: {  	[smem:$0x3FA8] =	sst s0  }
0x9: {  	[smem:$0x3FA9] =	sst s1  }
0xa: {  	[smem:$0x3FAA] =	sst s2  }
0xb: {  	[smem:$0x3FAB] =	sst s3  }
0xc: {  	[smem:$0x3FAC] =	sst s4  }
0xd: {  	[smem:$0x3FAD] =	sst s5  }
0xe: {  	[smem:$0x3FAE] =	sst s6  }
0xf: {  	[smem:$0x3FAF] =	sst s7  }
0x10: {  	[smem:$0x3FB0] =	sst s8  }
0x11: {  	[smem:$0x3FB1] =	sst s9;
	s0 =	simm.s32 @!p0 $0x0  }
0x12: {  	s1 =	sld [smem:$0x3F97];
	s0 =	simm.s32 @p0 $0x1  }
0x13: {  	[smem:$0x3FB2] =	sst s0;
	s0 =	simm.s32 @!p1 $0x0  }
0x14: {  	s2 =	sld [smem:$0x3F96];
	s0 =	simm.s32 @p1 $0x1  }
0x15: {  	[smem:$0x3FB3] =	sst s0;
	s0 =	simm.s32 @!p2 $0x0  }
0x16: {  	s3 =	sld [smem:$0x3FDB];
	s0 =	simm.s32 @p2 $0x1  }
0x17: {  	s4 =	simm.s32 $0x1BF5;
	[smem:$0x3FB5] =	sst s0  }
0x18: {  	s0 =	sld [smem:$0x3F98];
	_ =	swait.ge [sflag:s4], $0x0  }
0x19: {  	s7 =	sld [smem:$0x3F99]  }
0x1a: {  	s8 =	sadd.s32 $0xFFFFE003, lr  }
0x1b: {  	s9 =	sadd.s32 $0xFFFFFEF7, lr;
	s5 =	simm.s32 $0xFFFFFFFF;
	p2 =	slt.u32 s8, $0xFFFFF086  }
0x1c: {  	p1 =	slt.u32 s9, $0xF7A;
	s5 =	simm.s32 @!p2 $0x0  }
0x1d: {  	s5 =	simm.s32 @p1 $0x1;
	p0 =	seq.s32 s7, s2  }
0x1e: {  	s7 =	smul.u32 @!p0 $0xF7A, s2;
	p2 =	seq.s32 @!p0 s5, $0x0  }
0x1f: {  	s9 =	smul.u32 $0xF7A, s1;
	s8 =	simm.s32 @!p0 $0x1BF5;
	p2 =	por !p2, p0  }
0x20: {  	[sflag:s8] =	ssyncset.s32 @!p0 $0xFFFFF086;
	s6 =	sadd.s32 @!p0 s3, s7;
	s7 =	simm.s32 @!p0 $0x108  }
0x21: {  	s3 =	sadd.s32 s3, s9;
	s6 =	sadd.s32 @!p0 $0x88, s6;
	s7 =	simm.s32 @p2 $0x1082  }
0x22: {  	[simem:s7], [sflag:s8] =	dma.local @!p0 [hbm:s6], $0xF7A  }
0x23: {  	s9 =	sor.u32 $0xD0000000, s2;
	s6 =	simm.s32 $0x108;
	_ =	swait.ge @!p0 [sflag:s8], $0x0  }
0x24: {  	s3 =	sadd.s32 $0x88, s3;
	s6 =	simm.s32 @!p1 $0x1082;
	[sflag:s4] =	ssyncset.s32 $0xFFFFF086  }
0x25: {  	[simem:s6], [sflag:s4] =	dma.local [hbm:s3], $0xF7A  }
0x26: {  	[smem:$0x3F99] =	sst s1;
	(tag) =	ssettag s2;
	_ =	strace s9  }
0x27: {  	s1 =	sld [smem:$0x3FA9]  }
0x28: {  	s2 =	sld [smem:$0x3FAA]  }
0x29: {  	s4 =	sld [smem:$0x3FAC]  }
0x2a: {  	p0 =	seq.s32 s5, $0x0;
	s5 =	sld [smem:$0x3FAD]  }
0x2b: {  	s6 =	sld [smem:$0x3FAE]  }
0x2c: {  	s7 =	sld [smem:$0x3FAF]  }
0x2d: {  	s3 =	simm.s32 $0x108;
	s8 =	sld [smem:$0x3FB0]  }
0x2e: {  	s3 =	simm.s32 @!p0 $0x1082;
	s9 =	sld [smem:$0x3FB1]  }
0x2f: {  	lr =	sadd.s32 s0, s3;
	s0 =	sld [smem:$0x3FA8]  }
0x30: {  	s3 =	sld [smem:$0x3FAB]  }
0x31: {  	[smem:$0x3FB4] =	sst s10  }
0x32: {  	s10 =	sld [smem:$0x3FB2];
	_ =	sdelay $0x3  }
0x33: {  	p0 =	seq.s32 s10, $0x1;
	s10 =	sld [smem:$0x3FB4];
	_ =	sdelay $0x3  }
0x34: {  	[smem:$0x3FB4] =	sst s10  }
0x35: {  	s10 =	sld [smem:$0x3FB3];
	_ =	sdelay $0x3  }
0x36: {  	p1 =	seq.s32 s10, $0x1;
	s10 =	sld [smem:$0x3FB4];
	_ =	sdelay $0x3  }
0x37: {  	[smem:$0x3FB4] =	sst s10  }
0x38: {  	s10 =	sld [smem:$0x3FB5]  }
0x39: {  	_ = 	snop;
	(pc) =	sbr.ind lr, $3  }
0x3a: {  	_ = 	snop  }
0x3b: {  	_ = 	snop  }
0x3c: {  	p2 =	seq.s32 s10, $0x1;
	s10 =	sld [smem:$0x3FB4]  }
0x3d: {  	_ =	shalt  }
0x3e: {  	_ =	shalt  }
0x3f: {  	_ =	shalt  }
0x40: {  	_ =	shalt  }
0x41: {  	_ =	shalt  }
0x42: {  	_ =	shalt  }
0x43: {  	_ =	shalt  }
0x44: {  	_ =	shalt  }
0x45: {  	_ =	shalt  }
0x46: {  	_ =	shalt  }
0x47: {  	_ =	shalt  }
0x48: {  	_ =	shalt  }
0x49: {  	_ =	shalt  }
0x4a: {  	_ =	shalt  }
0x4b: {  	_ =	shalt  }
0x4c: {  	_ =	shalt  }
0x4d: {  	_ =	shalt  }
0x4e: {  	_ =	shalt  }
0x4f: {  	_ =	shalt  }
0x50: {  	_ =	shalt  }
0x51: {  	_ =	shalt  }
0x52: {  	_ =	shalt  }
0x53: {  	_ =	shalt  }
0x54: {  	_ =	shalt  }
0x55: {  	_ =	shalt  }
0x56: {  	_ =	shalt  }
0x57: {  	_ =	shalt  }
0x58: {  	_ =	shalt  }
0x59: {  	_ =	shalt  }
0x5a: {  	_ =	shalt  }
0x5b: {  	_ =	shalt  }
0x5c: {  	_ =	shalt  }
0x5d: {  	_ =	shalt  }
0x5e: {  	_ =	shalt  }
0x5f: {  	_ =	shalt  }
0x60: {  	_ =	shalt  }
0x61: {  	_ =	shalt  }
0x62: {  	_ =	shalt  }
0x63: {  	_ =	shalt  }
0x64: {  	_ =	shalt  }
0x65: {  	_ =	shalt  }
0x66: {  	_ =	shalt  }
0x67: {  	_ =	shalt  }
0x68: {  	_ =	shalt  }
0x69: {  	_ =	shalt  }
0x6a: {  	_ =	shalt  }
0x6b: {  	_ =	shalt  }
0x6c: {  	_ =	shalt  }
0x6d: {  	_ =	shalt  }
0x6e: {  	_ =	shalt  }
0x6f: {  	_ =	shalt  }
0x70: {  	_ =	shalt  }
0x71: {  	_ =	shalt  }
0x72: {  	_ =	shalt  }
0x73: {  	_ =	shalt  }
0x74: {  	_ =	shalt  }
0x75: {  	_ =	shalt  }
0x76: {  	_ =	shalt  }
0x77: {  	_ =	shalt  }
0x78: {  	_ =	shalt  }
0x79: {  	_ =	shalt  }
0x7a: {  	_ =	shalt  }
0x7b: {  	_ =	shalt  }
0x7c: {  	_ =	shalt  }
0x7d: {  	_ =	shalt  }
0x7e: {  	_ =	shalt  }
0x7f: {  	_ =	shalt  }
0x80: {  	_ =	shalt  }
0x81: {  	_ =	shalt  }
0x82: {  	_ =	shalt  }
0x83: {  	_ =	shalt  }
0x84: {  	_ =	shalt  }
0x85: {  	_ =	shalt  }
0x86: {  	_ =	shalt  }
0x87: {  	_ =	shalt  }
.Lfunc_end0:
.L_simem_size_0:
called_computation_lowered:
.L_overlay_start_0:
0x88: {  	s0 =	sld [smem:$0x3FD9]  }
0x89: {  	s1 =	sld [smem:$0x3FFE];
	_ =	sdelay $0x3  }
0x8a: {  	s0 =	sadd.s32 s1, s0  }
0x8b: {  	[smem:$0x3FC0] =	sst s0  }
0x8c: {  	_ = 	snop  }
0x8d: {  	s0 =	sld [smem:$0x3FC9]  }
0x8e: {  	s17 =	sld [smem:$0x3FC8]  }
0x8f: {  	s2 =	sld [smem:$0x3FC7]  }
0x90: {  	s3 =	sld [smem:$0x3FC6]  }
0x91: {  	s4 =	sld [smem:$0x3FC5]  }
0x92: {  	s5 =	sld [smem:$0x3FC4]  }
0x93: {  	s6 =	sld [smem:$0x3FC3]  }
0x94: {  	s7 =	sld [smem:$0x3FC2]  }
0x95: {  	s8 =	sld [smem:$0x3FD0];
	(tm) =	ssettm $0x1  }
0x96: {  	s9 =	sld [smem:$0x3FFB];
	_ =	sdelay $0x3  }
0x97: {  	_ =	strace s9  }
0x98: {  	s9 =	sld [smem:$0x3FFC];
	_ =	sdelay $0x3  }
0x99: {  	_ =	strace s9  }
0x9a: {  	s9 =	sld [smem:$0x3FFD];
	_ =	sdelay $0x3  }
0x9b: {  	_ =	strace s9  }
0x9c: {  	_ =	strace $0x8FFFFFFF  }
0x9d: {  	s18 =	sld [smem:$0x3FDB];
	_ =	sdelay $0x1  }
0x9e: {  	s10 =	simm.s32 $_scs_section_size  }
0x9f: {  	s11 =	simm.s32 $_size__tile_overlayer_lowered;
	s12 =	simm.s32 $_tile_overlayer_lowered  }
0xa0: {  	s21 =	simm.s32 $0x1BFF;
	s20 =	sshll.u32 s12, $0x1;
	s9 =	sadd.s32 s10, s18  }
0xa1: {  	s13 =	simm.s32 $0x0;
	s19 =	sshll.u32 s11, $0x1;
	s11 =	sadd.s32 s20, s9  }
0xa2: {  	[timem:s13], [sflag:s21] =	dma.local [hbm:s11], s19  }
0xa3: {  	_ =	swait.ge [sflag:s21], s19  }
0xa4: {  	s10 =	ssub.s32 $0x0, s19;
	[sflag:s21] =	ssyncset.done $0x0  }
0xa5: {  	[sflag:s21] =	ssyncadd.s32 s10;
	_ =	sdelay $0x1  }
0xa6: {  	s22 =	simm.s32 $0x1B8B  }
0xa7: {  	_ =	swait.ge [sflag:s22], $0x1  }
0xa8: {  	[sflag:s22] =	ssyncset.done $0x0  }
0xa9: {  	s23 =	simm.s32 $0x1B8E;
	[sflag:s22] =	ssyncadd.s32 $0xFFFFFFFF  }
0xaa: {  	s24 =	simm.s32 $execute0_lowered;
	[smem:$0x3FD2] =	sst s23  }
0xab: {  	s10 =	sshll.u32 s24, $0x1;
	_ =	strace $0x80000046;
	[dreg:$0x1] =	wrdreg $0xFFFFFFFF  }
0xac: {  	s25 =	simm.s32 $_size_execute0_lowered;
	s9 =	sadd.s32 s9, s10;
	[dreg:$0x0] =	wrdreg $0x0  }
0xad: {  	s10 =	sshll.u32 s25, $0x1;
	[dreg:$0x2] =	wrdreg s9  }
0xae: {  	[dreg:$0x3] =	wrdreg s10  }
0xaf: {  	[dreg:$0x4] =	wrdreg $0xC0  }
0xb0: {  	_ =	task [dreg:s13], $0x5FFFF  }
0xb1: {  	[dreg:$0x1] =	wrdreg $0xFFFFFFFF  }
0xb2: {  	[dreg:$0x0] =	wrdreg $0x60  }
0xb3: {  	[dreg:$0x2] =	wrdreg s0  }
0xb4: {  	[dreg:$0x3] =	wrdreg s17  }
0xb5: {  	[dreg:$0x4] =	wrdreg s2  }
0xb6: {  	[dreg:$0x5] =	wrdreg s3  }
0xb7: {  	[dreg:$0x6] =	wrdreg s4  }
0xb8: {  	[dreg:$0x7] =	wrdreg s5  }
0xb9: {  	[dreg:$0x8] =	wrdreg s6  }
0xba: {  	[dreg:$0x9] =	wrdreg s7  }
0xbb: {  	[dreg:$0xa] =	wrdreg s8  }
0xbc: {  	[dreg:$0xb] =	wrdreg $0x48800  }
0xbd: {  	[dreg:$0xc] =	wrdreg $0x9  }
0xbe: {  	_ =	task.clear_ibuf [dreg:s13], $0xDFFFF;
	_ =	strace $0x90000046  }
0xbf: {  	s26 =	simm.s32 $0x9;
	_ =	strace $0x80000048  }
0xc0: {  	_ =	swait.ge [sflag:s26], $0x1  }
0xc1: {  	[sflag:s26] =	ssyncadd.s32 $0xFFFFFFFF  }
0xc2: {  	_ =	strace $0x90000048  }
0xc3: {  	_ =	sfence  }
0xc4: {  	s28 =	sld [smem:$0x0];
	_ =	sdelay $0x1  }
0xc5: {  	s29 =	srdreg.scid  }
0xc6: {  	s30 =	sshll.u32 s29, $0xD;
	s31 =	sshrl.u32 s29, $0x2  }
0xc7: {  	s1 =	sand.u32 $0x1, s29;
	s2 =	sand.u32 $0x4000, s30;
	s0 =	sadd.s32 s31, s28  }
0xc8: {  	s1 =	sor.u32 s2, s1;
	s0 =	sshll.u32 s0, $0x11  }
0xc9: {  	s0 =	sor.u32 s0, s1  }
0xca: {  	s0 =	sadd.s32 $0x8F2B, s0  }
0xcb: {  	[sflag:s0] =	ssyncadd.remote.s32 $0x1  }
0xcc: {  	_ =	sfence.sel $0xFFFF  }
0xcd: {  	[dreg:$0x0] =	wrdreg $0xFFFFFFFF;
	(pc) =	sbr.abs _section_cstart, $3  }
0xce: {  	[dreg:$0x1] =	wrdreg $0xFFFFFFFF  }
0xcf: {  	_ =	task.clear_ibuf [dreg:s13], $0x2FFFF;
	_ =	strace $0x9FFFFFFF  }
0xd0: {  	(tm) =	ssettm $0x7FFFFFFF  }
0xd1: {  	_ =	shalt  }
tec
execute0_lowered:
.L_overlay_start_1:
0x0: {  	(tag) =	ssettag $0x1  }
0x1: {  	s5 =	rddreg [dreg:$0x0]  }
0x2: {  	s4 =	rddreg [dreg:$0x1]  }
0x3: {  	s6 =	rddreg [dreg:$0x2]  }
0x4: {  	s8 =	rddreg [dreg:$0x3]  }
0x5: {  	s11 =	rddreg [dreg:$0x4]  }
0x6: {  	s12 =	rddreg [dreg:$0x5];
	s1 =	stileid.u32  }
0x7: {  	s9 =	rddreg [dreg:$0x6];
	p0 =	seq.s32 s1, $0x0  }
.Ltmp0:
0x8: {  	s7 =	rddreg [dreg:$0x7];
	(pc) =	sbr.rel @p0 .LBB2_15-.Ltmp0, $4  }
0x9: {  	s3 =	rddreg [dreg:$0x8]  }
0xa: {  	s2 =	rddreg [dreg:$0x9];
	s10 =	simm.s32 $0x0  }
0xb: {  	[smem:$0x7FF] =	sst s10  }
0xc: {  	s0 =	rddreg [dreg:$0xa];
	_ =	strace $0x80000047  }
0xd: {  	p0 =	sgt.u32 s1, $0x8  }
.Ltmp1:
0xe: {  	_ = 	snop;
	(pc) =	sbr.rel @p0 .LBB2_7-.Ltmp1, $1  }
0xf: {  	_ =	sdelay $0x3  }
0x10: {  	s3 =	smul.u32 $0x3E8, s1;
	_ =	sdelay $0x1  }
0x11: {  	s3 =	sadd.s32 $0xFFFFFC18, s3  }
0x12: {  	s9 =	simm.s32 $0x4280;
	s3 =	sshrl.u32 s3, $0x3  }
0x13: {  	s29 =	simm.s32 $0x2;
	s3 =	sadd.s32 s11, s3;
	s11 =	simm.s32 $0x0  }
0x14: {  	[tilespmem:s9], [sflag:$0x2] =	stream.linear.gather [hbm4b:s3+s11], $0x190, $0x38;
	[tilespmem:$0x4890] =	vst v63  }
0x15: {  	_ =	swait.ge [sflag:s29], $0x190  }
0x16: {  	[sflag:s29] =	ssyncset.done $0x0  }
0x17: {  	[sflag:s29] =	ssyncadd.s32 $0xFFFFFE70  }
0x18: {  	v0 =	vld [tilespmem:s9+$0x0];
	_ =	sdelay $0x2  }
0x19: {  	s30 =	smul.u32 $0x190, s1;
	s10 =	sshll.u32 s1, $0x4  }
0x1a: {  	v1 =	vimm.f32 $-Inf;
	v8 =	vimm.s32 $0x0;
	v2 =	vlaneseq.u32;
	s12 =	simm.s32 $0x4290;
	s31 =	sadd.s32 s10, s2  }
0x1b: {  	v3 =	vimm.s32 $0x0;
	s10 =	simm.s32 $0x10;
	s3 =	sadd.s32 $0xFFFFFFF0, s31;
	v4 =	vor.u32 s11, v2;
	s9 =	sadd.s32 $0xFFFFFE70, s30;
	vm0 =	vgt.f32 v0, v1  }
.LBB2_3:
0x1c: {  	p0 =	sne.s32 s10, $0x180;
	v1 =	vsel vm0, v0, v1;
	v0 =	vld [tilespmem:s12+$0x0];
	v3 =	vsel vm0, v4, v3;
	s13 =	smov.u32 s10;
	s10 =	sadd.s32 $0x10, s10  }
.Ltmp2:
0x1d: {  	(pc) =	sbr.rel @p0 .LBB2_3-.Ltmp2, $2  }
0x1e: {  	_ =	sdelay $0x2  }
0x1f: {  	s12 =	sadd.s32 $0x10, s12;
	v4 =	vor.u32 s13, v2;
	vm0 =	vgt.f32 v0, v1  }
0x20: {  	v7 =	vsel vm0, v0, v1  }
0x21: {  	(xrf0) =	vmax.scan.msk.f32 $0xffff, v7;
	_ =	sdelay $0x5  }
0x22: {  	v0, _, _ =	vpop (xrf0)  }
0x23: {  	v10 =	vbroadcast v0, $0xF  }
0x24: {  	v1 =	vsel vm0, v4, v3  }
0x25: {  	v0 =	vxor.u32 $0x80000000, v1;
	vm0 =	veq.f32 v7, v10  }
0x26: {  	v0 =	vnsel vm0, $0xC0000000, v0  }
0x27: {  	(xrf0) =	vmin.scan.msk.u32 $0xffff, v0;
	_ =	sdelay $0x5  }
0x28: {  	v0, _, _ =	vpop (xrf0)  }
0x29: {  	(v2sf) =	vpush v0, $0xF;
	_ =	sdelay $0xc  }
0x2a: {  	vm0 =	vcmask $0x300;
	v0 =	vimm.s32 $0x180  }
0x2b: {  	v0 =	vsel vm0, $0x100, v0;
	vm0 =	vcmask $0x704  }
0x2c: {  	v0 =	vsel vm0, $0x110, v0;
	vm0 =	vcmask $0xB08;
	s10 =	spop (v2sf)  }
0x2d: {  	v0 =	vsel vm0, $0x120, v0;
	vm0 =	vcmask $0xF0C;
	s12 =	sxor.u32 $0x80000000, s10  }
0x2e: {  	v0 =	vsel vm0, $0x130, v0;
	vm0 =	vcmask $0x1310;
	s10 =	sshra.s32 s12, $0x1F  }
0x2f: {  	v0 =	vsel vm0, $0x140, v0;
	vm0 =	vcmask $0x1714;
	s10 =	sshrl.u32 s10, $0x1C  }
0x30: {  	v2 =	vsel vm0, $0x150, v0;
	vm0 =	vcmask $0x1B18;
	s10 =	sadd.s32 s10, s12  }
0x31: {  	v0 =	vlaneseq.u32;
	v3 =	vsel vm0, $0x160, v2;
	vm0 =	vcmask $0x1F1C;
	s10 =	sand.u32 $0xFFFFFFF0, s10  }
0x32: {  	v2 =	vmul.u32 $0x10, v0;
	v3 =	vsel vm0, $0x170, v3;
	v5 =	vmov s12;
	s13 =	ssub.s32 s12, s10  }
0x33: {  	v6 =	vadd.s32 s13, v3  }
0x34: {  	v9 =	vadd.s32 s13, v2;
	_ =	sdelay $0x1  }
0x35: {  	v4 =	vimm.f32 $-Inf;
	s10 =	simm.s32 $0x4280  }
0x36: {  	[tilespmem:v5+s10+$0x0] =	vst.idx.msk $0x1, v4  }
0x37: {  	v5 =	vld.idx.msk [tilespmem:v6+s10+$0x0], $0xffff  }
0x38: {  	v6 =	vld.idx.msk [tilespmem:v9+s10+$0x0], $0xffff;
	_ =	sdelay $0x2  }
0x39: {  	vm0 =	vmmov $0x1ff  }
0x3a: {  	v5 =	vnsel vm0, $0xFF800000, v5  }
0x3b: {  	vm1 =	vgt.f32 v5, v6  }
0x3c: {  	v9 =	vsel vm1, v5, v6  }
0x3d: {  	(xrf0) =	vmax.scan.msk.f32 $0xffff, v9;
	_ =	sdelay $0x5  }
0x3e: {  	v5, _, _ =	vpop (xrf0)  }
0x3f: {  	v11 =	vbroadcast v5, $0xF  }
0x40: {  	v6 =	vor.u32 $0x80000010, v0;
	v5 =	vor.u32 $0x80000000, v0  }
0x41: {  	vm2 =	veq.f32 v9, v11;
	v9 =	vsel vm1, v6, v5  }
0x42: {  	v9 =	vnsel vm2, $0xC0000000, v9  }
0x43: {  	(xrf0) =	vmin.scan.msk.u32 $0xffff, v9;
	_ =	sdelay $0x5  }
0x44: {  	v9, _, _ =	vpop (xrf0)  }
0x45: {  	(v2sf) =	vpush v9, $0xF;
	_ =	sdelay $0x6  }
0x46: {  	v9 =	vmov s13  }
0x47: {  	vm2 =	veq.s32 v9, v0  }
0x48: {  	v9 =	vsel vm2, v11, v7  }
0x49: {  	(xrf0) =	vmax.scan.msk.f32 $0xffff, v9;
	_ =	sdelay $0x3  }
0x4a: {  	s14 =	simm.s32 $0x5;
	v7 =	vmov s11  }
0x4b: {  	v12 =	vmov s14;
	v11 =	vimm.f32 $0.0e+00;
	s11 =	simm.s32 $0x1;
	vm1 =	veq.s32 v7, v0;
	s31 =	spop (v2sf)  }
0x4c: {  	vm3 =	veq.s32 v12, v0;
	s15 =	sadd.s32 s12, s9;
	v13 =	vmov s11;
	v7 =	vsel vm1, v10, v11;
	v10, _, _ =	vpop (xrf0);
	s14 =	sshll.u32 s31, $0x4  }
0x4d: {  	v8 =	vsel vm3, s15, v8;
	s12 =	simm.s32 $0x2;
	vm1 =	veq.s32 v13, v0;
	v10 =	vbroadcast v10, $0xF;
	s13 =	sadd.s32 s13, s14  }
.LBB2_5:
0x4e: {  	v11 =	vmov s12;
	p0 =	sne.s32 s12, $0x4;
	v1 =	vsel vm2, s13, v1;
	s13 =	smov.u32 s12;
	s12 =	sadd.s32 $0x1, s12  }
0x4f: {  	vm2 =	veq.f32 v9, v10;
	v12 =	vxor.u32 $0x80000000, v1;
	v7 =	vsel vm1, v10, v7  }
0x50: {  	vm1 =	veq.s32 v11, v0;
	v10 =	vnsel vm2, $0xC0000000, v12  }
0x51: {  	(xrf0) =	vmin.scan.msk.u32 $0xffff, v10;
	_ =	sdelay $0x5  }
0x52: {  	v10, _, _ =	vpop (xrf0)  }
0x53: {  	(v2sf) =	vpush v10, $0xF;
	_ =	sdelay $0xe  }
0x54: {  	s14 =	sadd.s32 $0x5, s11;
	s11 =	smov.u32 s13;
	s15 =	spop (v2sf)  }
0x55: {  	v10 =	vmov s14;
	s13 =	sxor.u32 $0x80000000, s15  }
0x56: {  	vm2 =	veq.s32 v10, v0;
	s14 =	sadd.s32 s13, s9;
	s15 =	sshra.s32 s13, $0x1F;
	v10 =	vmov s13  }
0x57: {  	v8 =	vsel vm2, s14, v8;
	s14 =	sshrl.u32 s15, $0x1C  }
0x58: {  	s14 =	sadd.s32 s14, s13  }
0x59: {  	s14 =	sand.u32 $0xFFFFFFF0, s14  }
0x5a: {  	s13 =	ssub.s32 s13, s14  }
0x5b: {  	v11 =	vmov s13;
	v12 =	vadd.s32 s13, v2;
	v13 =	vadd.s32 s13, v3;
	_ =	sdelay $0x3  }
0x5c: {  	[tilespmem:v10+s10+$0x0] =	vst.idx.msk $0x1, v4  }
0x5d: {  	v10 =	vld.idx.msk [tilespmem:v13+s10+$0x0], $0xffff  }
0x5e: {  	v12 =	vld.idx.msk [tilespmem:v12+s10+$0x0], $0xffff;
	_ =	sdelay $0x4  }
0x5f: {  	v10 =	vnsel vm0, $0xFF800000, v10  }
0x60: {  	vm3 =	vgt.f32 v10, v12  }
0x61: {  	v10 =	vsel vm3, v10, v12  }
0x62: {  	(xrf0) =	vmax.scan.msk.f32 $0xffff, v10;
	_ =	sdelay $0x5  }
0x63: {  	v12, _, _ =	vpop (xrf0)  }
0x64: {  	v12 =	vbroadcast v12, $0xF  }
0x65: {  	vm2 =	veq.s32 v11, v0  }
0x66: {  	vm4 =	veq.f32 v10, v12;
	v10 =	vsel vm3, v6, v5;
	v9 =	vsel vm2, v12, v9  }
0x67: {  	v10 =	vnsel vm4, $0xC0000000, v10  }
0x68: {  	(xrf0) =	vmin.scan.msk.u32 $0xffff, v10;
	_ =	sdelay $0x5  }
0x69: {  	v10, _, _ =	vpop (xrf0)  }
0x6a: {  	(v2sf) =	vpush v10, $0xF;
	_ =	sdelay $0x9  }
0x6b: {  	(xrf0) =	vmax.scan.msk.f32 $0xffff, v9;
	_ =	sdelay $0x2  }
.Ltmp3:
0x6c: {  	(pc) =	sbr.rel @p0 .LBB2_5-.Ltmp3, $4  }
0x6d: {  	_ = 	snop  }
0x6e: {  	s14 =	spop (v2sf)  }
0x6f: {  	v10, _, _ =	vpop (xrf0);
	s14 =	sshll.u32 s14, $0x4  }
0x70: {  	v10 =	vbroadcast v10, $0xF;
	s13 =	sadd.s32 s13, s14  }
0x71: {  	v1 =	vsel vm2, s13, v1  }
0x72: {  	vm12 =	veq.f32 v9, v10;
	v1 =	vxor.u32 $0x80000000, v1  }
0x73: {  	v1 =	vnsel vm12, $0xC0000000, v1  }
0x74: {  	(xrf0) =	vmin.scan.msk.u32 $0xffff, v1;
	_ =	sdelay $0x5  }
0x75: {  	v1, _, _ =	vpop (xrf0)  }
0x76: {  	(v2sf) =	vpush v1, $0xF;
	_ =	sdelay $0xe  }
0x77: {  	s12 =	spop (v2sf)  }
0x78: {  	s12 =	sxor.u32 $0x80000000, s12  }
0x79: {  	s28 =	sshra.s32 s12, $0x1F  }
0x7a: {  	s13 =	sshrl.u32 s28, $0x1C  }
0x7b: {  	s13 =	sadd.s32 s13, s12  }
0x7c: {  	s13 =	sand.u32 $0xFFFFFFF0, s13  }
0x7d: {  	v59 =	vmov s12;
	s13 =	ssub.s32 s12, s13  }
0x7e: {  	v3 =	vadd.s32 s13, v3  }
0x7f: {  	v2 =	vadd.s32 s13, v2;
	_ =	sdelay $0x2  }
0x80: {  	[tilespmem:v59+s10+$0x0] =	vst.idx.msk $0x1, v4  }
0x81: {  	v1 =	vld.idx.msk [tilespmem:v3+s10+$0x0], $0xffff  }
0x82: {  	v2 =	vld.idx.msk [tilespmem:v2+s10+$0x0], $0xffff;
	_ =	sdelay $0x3  }
0x83: {  	v1 =	vnsel vm0, $0xFF800000, v1  }
0x84: {  	vm0 =	vgt.f32 v1, v2  }
0x85: {  	v1 =	vsel vm0, v1, v2  }
0x86: {  	(xrf0) =	vmax.scan.msk.f32 $0xffff, v1;
	_ =	sdelay $0x5  }
0x87: {  	v60, _, _ =	vpop (xrf0)  }
0x88: {  	v2 =	vbroadcast v60, $0xF;
	_ =	sdelay $0x1  }
0x89: {  	v61 =	vsel vm0, v6, v5;
	vm13 =	veq.f32 v1, v2  }
0x8a: {  	v1 =	vnsel vm13, $0xC0000000, v61  }
0x8b: {  	(xrf0) =	vmin.scan.msk.u32 $0xffff, v1;
	_ =	sdelay $0x5  }
0x8c: {  	v1, _, _ =	vpop (xrf0)  }
0x8d: {  	(v2sf) =	vpush v1, $0xF;
	_ =	sdelay $0x7  }
0x8e: {  	s29 =	sadd.s32 $0x5, s11  }
0x8f: {  	v62 =	vmov s29  }
0x90: {  	vm14 =	veq.s32 v62, v0;
	s9 =	sadd.s32 s12, s9  }
0x91: {  	vm15 =	vmmov $0x1f;
	v63 =	vsel vm1, v10, v7;
	v1 =	vsel vm14, s9, v8  }
0x92: {  	v0 =	vsel vm15, v63, v1  }
0x93: {  	s30 =	simm.s32 $0x4780;
	[tilespmem:$0x4780] =	vst v0  }
0x94: {  	[spmem:s3] =	stream.linear.scatter [tilespmem:s30], [sflag:$0x2], $0x10, $0x38;
	[tilespmem:$0x4890] =	vst v63  }
0x95: {  	s3 =	simm.s32 $0x2;
	s31 =	spop (v2sf)  }
0x96: {  	_ =	swait.ge [sflag:s3], $0x10  }
0x97: {  	[sflag:s3] =	ssyncset.done $0x0  }
0x98: {  	[sflag:s3] =	ssyncadd.s32 $0xFFFFFFF0  }
.LBB2_7:
0x99: {  	p0 =	seq.s32 s1, $0x9  }
.Ltmp4:
0x9a: {  	_ = 	snop;
	(pc) =	sbr.rel @p0 .LBB2_12-.Ltmp4, $1  }
0x9b: {  	_ =	sdelay $0x3  }
0x9c: {  	p0 =	seq.s32 s1, $0xB  }
.Ltmp5:
0x9d: {  	_ = 	snop;
	(pc) =	sbr.rel @p0 .LBB2_11-.Ltmp5, $1  }
0x9e: {  	_ =	sdelay $0x3  }
0x9f: {  	p0 =	sne.s32 s1, $0xA  }
.Ltmp6:
0xa0: {  	_ = 	snop;
	(pc) =	sbr.rel @p0 .LBB2_14-.Ltmp6, $1  }
0xa1: {  	_ =	sdelay $0x3  }
0xa2: {  	s3 =	sadd.s32 $0x7C, s4;
	s5 =	simm.s32 $0x0;
	s6 =	simm.s32 $0x4480  }
0xa3: {  	[tilespmem:s6], [sflag:$0x1] =	stream.linear.gather [hbm4b:s3+s5], $0x10, $0x38;
	[tilespmem:$0x4890] =	vst v63  }
0xa4: {  	s21 =	sadd.s32 $0xF9, s4;
	s22 =	simm.s32 $0x4490  }
0xa5: {  	[tilespmem:s22], [sflag:$0x1] =	stream.linear.gather [hbm4b:s21+s5], $0x10, $0x38;
	[tilespmem:$0x4890] =	vst v63  }
0xa6: {  	s23 =	sadd.s32 $0x176, s4;
	s24 =	simm.s32 $0x44A0  }
0xa7: {  	[tilespmem:s24], [sflag:$0x1] =	stream.linear.gather [hbm4b:s23+s5], $0x10, $0x38;
	[tilespmem:$0x4890] =	vst v63  }
0xa8: {  	s25 =	sadd.s32 $0x1F3, s4;
	s26 =	simm.s32 $0x44B0  }
0xa9: {  	[tilespmem:s26], [sflag:$0x1] =	stream.linear.gather [hbm4b:s25+s5], $0x10, $0x38;
	[tilespmem:$0x4890] =	vst v63  }
.Ltmp7:
0xaa: {  	_ = 	snop;
	(pc) =	sbr.rel .LBB2_13-.Ltmp7, $4  }
0xab: {  	s28 =	sadd.s32 $0x270, s4;
	s29 =	simm.s32 $0x44C0;
	s30 =	sadd.s32 $0x2ED, s4  }
0xac: {  	[tilespmem:s29], [sflag:$0x1] =	stream.linear.gather [hbm4b:s28+s5], $0x10, $0x38;
	[tilespmem:$0x4890] =	vst v63  }
0xad: {  	s31 =	simm.s32 $0x44D0;
	s2 =	sadd.s32 $0x90, s2;
	s3 =	sadd.s32 $0x36A, s4  }
0xae: {  	[tilespmem:s31], [sflag:$0x1] =	stream.linear.gather [hbm4b:s30+s5], $0x10, $0x38;
	[tilespmem:$0x4890] =	vst v63  }
.LBB2_15:
0xaf: {  	vm0 =	vcmask $0x3B00;
	v0 =	vimm.f32 $0.0e+00  }
0xb0: {  	v1 =	vsel vm0, $0x3F800000, v0  }
0xb1: {  	(xrf0) =	vmax.scan.msk.f32 $0xffff, v1;
	_ =	sdelay $0x4  }
0xb2: {  	[tilespmem:s10], [sflag:$0x1] =	stream.linear.gather [hbm4b:s12+s10], $0x1CE8, $0x38;
	[tilespmem:$0x4890] =	vst v63  }
0xb3: {  	s4 =	simm.s32 $0x1D00;
	s5 =	sadd.s32 $0x177, s9;
	v1, _, _ =	vpop (xrf0)  }
0xb4: {  	[tilespmem:s4], [sflag:$0x1] =	stream.linear.gather [hbm4b:s9+s10], $0x4B0, $0x38;
	(v2sf) =	vpush v1, $0xF;
	[tilespmem:$0x4890] =	vst v63  }
0xb5: {  	s6 =	simm.s32 $0x21B0;
	s17 =	sadd.s32 $0x2EE, s9;
	s18 =	simm.s32 $0x2660  }
0xb6: {  	[tilespmem:s6], [sflag:$0x1] =	stream.linear.gather [hbm4b:s5+s10], $0x4B0, $0x38;
	[tilespmem:$0x4890] =	vst v63  }
0xb7: {  	s19 =	sadd.s32 $0x465, s9;
	s20 =	simm.s32 $0x2B10;
	s21 =	sadd.s32 $0x5DC, s9  }
0xb8: {  	v2 =	vimm.s32 $0x12111013;
	[tilespmem:s18], [sflag:$0x1] =	stream.linear.gather [hbm4b:s17+s10], $0x4B0, $0x38;
	[tilespmem:$0x4890] =	vst v63  }
0xb9: {  	s22 =	simm.s32 $0x2FC0;
	v3 =	vimm.s32 $0x98765;
	s23 =	sadd.s32 $0x753, s9;
	s24 =	simm.s32 $0x3470  }
0xba: {  	v4 =	vimm.s32 $0x21201422;
	vm1 =	vcmask $0x3324;
	[tilespmem:s20], [sflag:$0x1] =	stream.linear.gather [hbm4b:s19+s10], $0x4B0, $0x38;
	[tilespmem:$0x4890] =	vst v63  }
0xbb: {  	v5 =	vimm.s32 $0x30242300;
	v6 =	vimm.s32 $0x26251927;
	v53 =	vimm.s32 $0x34333231  }
0xbc: {  	vm2 =	vcmask $0x3F34;
	v7 =	vimm.s32 $0x43424140;
	[tilespmem:s22], [sflag:$0x1] =	stream.linear.gather [hbm4b:s21+s10], $0x4B0, $0x38;
	[tilespmem:$0x4890] =	vst v63  }
0xbd: {  	v8 =	vimm.s32 $0x57565549;
	v9 =	vimm.s32 $0x66655958;
	v10 =	vimm.s32 $0x39383736  }
0xbe: {  	v11 =	vimm.s32 $0x48474645;
	v1 =	vimm.s32 $0x43210;
	[tilespmem:s24], [sflag:$0x1] =	stream.linear.gather [hbm4b:s23+s10], $0x4B0, $0x38;
	[tilespmem:$0x4890] =	vst v63  }
0xbf: {  	s25 =	sadd.s32 $0x8CA, s9;
	s26 =	simm.s32 $0x3920;
	v55 =	vimm.s32 $0x70646362;
	v56 =	vimm.s32 $0x74737271;
	v1 =	vunpack.c.l.s4.s8 v1  }
0xc0: {  	v57 =	vimm.s32 $0x75696867;
	v2 =	vunpack.c.0.s8.s32 v2;
	v3 =	vunpack.c.l.s4.s8 v3;
	[tilespmem:s26], [sflag:$0x1] =	stream.linear.gather [hbm4b:s25+s10], $0x4B0, $0x38;
	[tilespmem:$0x4890] =	vst v63  }
0xc1: {  	s29 =	sadd.s32 $0xA41, s9;
	s7 =	simm.s32 $0x3DD0;
	vm0 =	vcmask $0x2314;
	v5 =	vunpack.c.0.s8.s32 v5;
	v1 =	vunpack.c.0.s8.s32 v1  }
0xc2: {  	v6 =	vunpack.c.0.s8.s32 v6;
	v7 =	vunpack.c.0.s8.s32 v7;
	v3 =	vunpack.c.0.s8.s32 v3;
	[tilespmem:s7], [sflag:$0x1] =	stream.linear.gather [hbm4b:s29+s10], $0x4B0, $0x38;
	[tilespmem:$0x4890] =	vst v63  }
0xc3: {  	v1 =	vsel vm0, v2, v1;
	v2 =	vunpack.c.0.s8.s32 v4;
	v4 =	vimm.s32 $0x17161518;
	s28 =	spop (v2sf)  }
0xc4: {  	s30 =	simm.s32 $0x1;
	v8 =	vunpack.c.0.s8.s32 v8;
	v9 =	vunpack.c.0.s8.s32 v9;
	v4 =	vunpack.c.0.s8.s32 v4;
	[bflag:$0x0] =	sbarrier.arrive $0xFFFF  }
0xc5: {  	v10 =	vunpack.c.0.s8.s32 v10;
	v11 =	vunpack.c.0.s8.s32 v11;
	v3 =	vand.u32 $0xF, v3;
	_ =	swait.ge [sflag:s30], $0x1CE8  }
0xc6: {  	v1 =	vsel vm1, v2, v1;
	v2 =	vsel vm0, v4, v3;
	v3 =	vimm.s32 $0x35292800;
	[sflag:s30] =	ssyncset.done $0x0  }
0xc7: {  	v1 =	vsel vm2, v5, v1;
	v4 =	vimm.s32 $0x52515044;
	v5 =	vimm.s32 $0x61605453;
	[sflag:s30] =	ssyncadd.s32 $0xFFFFE318  }
0xc8: {  	vm0 =	vcmask $0x1F10;
	v2 =	vsel vm1, v6, v2;
	v3 =	vunpack.c.0.s8.s32 v3;
	_ =	swait.ge [sflag:s30], $0x2580  }
0xc9: {  	v4 =	vunpack.c.0.s8.s32 v4;
	v5 =	vunpack.c.0.s8.s32 v5;
	v6 =	vunpack.c.0.s8.s32 v53;
	[sflag:s30] =	ssyncset.done $0x0  }
0xca: {  	v58 =	vimm.s32 $0x79787776;
	s5 =	simm.s32 $0x4600;
	v54 =	vsel vm0, v11, v10;
	v2 =	vsel vm2, v3, v2;
	[sflag:s30] =	ssyncadd.s32 $0xFFFFDA80  }
0xcb: {  	v3 =	vsel vm0, v5, v4;
	v4 =	vsel vm0, v7, v6;
	v5 =	vsel vm0, v9, v8;
	[tilespmem:s5], [sflag:$0x2] =	stream.linear.gather [spmem:s2], $0x100, $0x38;
	[tilespmem:$0x4890] =	vst v63  }
0xcc: {  	v3 =	vcombine.low v4, v3;
	v4 =	vcombine.low v54, v5;
	v5 =	vunpack.c.0.s8.s32 v55;
	s2 =	simm.s32 $0x2  }
0xcd: {  	vm1 =	vcmask $0xF00;
	v6 =	vunpack.c.0.s8.s32 v56;
	v7 =	vunpack.c.0.s8.s32 v57;
	_ =	swait.ge [sflag:s2], $0x100  }
0xce: {  	v8 =	vunpack.c.0.s8.s32 v58;
	v5 =	vnsel vm1, $0x0, v5;
	[sflag:s2] =	ssyncset.done $0x0  }
0xcf: {  	v59 =	vnsel vm1, $0x5, v7;
	v5 =	vsel vm0, v6, v5;
	[sflag:s2] =	ssyncadd.s32 $0xFFFFFF00  }
0xd0: {  	v6 =	vsel vm0, v8, v59;
	v1 =	vld.idx.msk [tilespmem:v1+s5+$0x0], $0xffff  }
0xd1: {  	v2 =	vld.idx.msk [tilespmem:v2+s5+$0x0], $0xffff  }
0xd2: {  	v3 =	vld.idx.msk [tilespmem:v3+s5+$0x0], $0xffff  }
0xd3: {  	v4 =	vld.idx.msk [tilespmem:v4+s5+$0x0], $0xffff  }
0xd4: {  	v5 =	vld.idx.msk [tilespmem:v5+s5+$0x0], $0xffff  }
0xd5: {  	v6 =	vld.idx.msk [tilespmem:v6+s5+$0x0], $0xffff;
	_ =	sdelay $0x2  }
0xd6: {  	vm1 =	vmmov $0xff;
	(xrf1) =	vsort.dscd.msk.f32 $0xffff, v1, v2  }
0xd7: {  	v1 =	vnsel vm1, $0xFF800000, v5;
	(xrf1) =	vsort.dscd.msk.f32 $0xffff, v3, v4  }
0xd8: {  	(xrf1) =	vsort.dscd.msk.f32 $0xffff, v1, v6  }
0xd9: {  	v1 =	vimm.s32 $0x39000  }
0xda: {  	v2 =	vimm.s32 $0xE400000;
	v1 =	vunpack.c.l.s2.s4 v1  }
0xdb: {  	v3 =	vimm.s32 $0xA9876540;
	v2 =	vunpack.c.l.s2.s4 v2  }
0xdc: {  	v3 =	vunpack.c.l.s4.s8 v3;
	v1 =	vunpack.c.l.s4.s8 v1  }
0xdd: {  	v2 =	vunpack.c.l.s4.s8 v2  }
0xde: {  	v3 =	vunpack.c.0.s8.s32 v3;
	v4 =	vunpack.c.0.s8.s32 v1  }
0xdf: {  	vm1 =	vcmask $0x3F24;
	v2 =	vunpack.c.0.s8.s32 v2  }
0xe0: {  	v3 =	vand.u32 $0xF, v3;
	v1 =	vlaneseq.u32;
	v4 =	vand.u32 $0x3, v4  }
0xe1: {  	v2 =	vand.u32 $0x3, v2;
	v3 =	vsel vm1, v3, v4;
	vm1 =	vcmask $0x3700  }
0xe2: {  	v2 =	vnsel vm1, $0x5, v2;
	vm1 =	vcmask $0x3B38  }
0xe3: {  	v2 =	vsel vm1, $0x4, v2  }
0xe4: {  	v4, v5, _ =	vpop (xrf1)  }
0xe5: {  	s31 =	simm.s32 $0x4700;
	[tilespmem:$0x4700] =	vst v4;
	v4, v60, _ =	vpop (xrf1)  }
0xe6: {  	v61 =	vld.idx.msk [tilespmem:v1+s31+$0x0], $0xffff;
	[tilespmem:$0x4700] =	vst v4;
	v4, v62, _ =	vpop (xrf1)  }
0xe7: {  	v63 =	vld.idx.msk [tilespmem:v3+s31+$0x0], $0xffff;
	[tilespmem:$0x4700] =	vst v4  }
0xe8: {  	v4 =	vld.idx.msk [tilespmem:v2+s31+$0x0], $0xffff;
	[tilespmem:$0x4700] =	vst v5  }
0xe9: {  	v5 =	vld.idx.msk [tilespmem:v1+s31+$0x0], $0xffff;
	[tilespmem:$0x4700] =	vst v60  }
0xea: {  	v3 =	vld.idx.msk [tilespmem:v3+s31+$0x0], $0xffff;
	[tilespmem:$0x4700] =	vst v62  }
0xeb: {  	v2 =	vld.idx.msk [tilespmem:v2+s31+$0x0], $0xffff;
	_ =	sdelay $0x3  }
0xec: {  	vm2 =	vcmask $0x2714  }
0xed: {  	vm3 =	vmmov $0x1f;
	v4 =	vsel vm2, v63, v4;
	v2 =	vsel vm2, v3, v2  }
0xee: {  	v3 =	vsel vm3, v61, v4;
	v2 =	vsel vm3, v5, v2  }
0xef: {  	(xrf1) =	vsort.dscd.msk.f32 $0xffff, v3, v2;
	_ =	sdelay $0x1  }
0xf0: {  	v2 =	vimm.s32 $0xFEA540  }
0xf1: {  	v2 =	vunpack.c.l.s2.s4 v2;
	_ =	sdelay $0x1  }
0xf2: {  	v2 =	vunpack.c.l.s4.s8 v2;
	_ =	sdelay $0x1  }
0xf3: {  	v2 =	vunpack.c.0.s8.s32 v2;
	_ =	sdelay $0x1  }
0xf4: {  	vm2 =	vcmask $0x2F00;
	v2 =	vand.u32 $0x3, v2  }
0xf5: {  	v2 =	vnsel vm2, $0x5, v2;
	vm2 =	vcmask $0x3B30  }
0xf6: {  	v2 =	vsel vm2, $0x4, v2;
	_ =	sdelay $0x2  }
0xf7: {  	v3, v4, _ =	vpop (xrf1)  }
0xf8: {  	[tilespmem:$0x4700] =	vst v3  }
0xf9: {  	v3 =	vld.idx.msk [tilespmem:v2+s31+$0x0], $0xffff;
	_ =	sdelay $0x4  }
0xfa: {  	v3 =	vsub.f32 $0.0e+00, v3;
	_ =	sdelay $0x1  }
0xfb: {  	v3 =	vmul.f32 $1.442695020e+00, v3;
	_ =	sdelay $0x1  }
0xfc: {  	(erf) = vpow2.f32 v3;
	_ =	sdelay $0x8  }
0xfd: {  	v3 =	vpop (erf)  }
0xfe: {  	v3 =	vadd.f32 $1.000000000e+00, v3;
	_ =	sdelay $0x1  }
0xff: {  	(erf) = vrcp.f32 v3;
	_ =	sdelay $0x3  }
0x100: {  	p0 =	sgt.f32 s28, $0.0e+00  }
.Ltmp8:
0x101: {  	_ = 	snop;
	(pc) =	sbr.rel @!p0 .LBB2_16-.Ltmp8, $3  }
0x102: {  	_ =	sdelay $0x1  }
0x103: {  	[tilespmem:$0x4700] =	vst v4  }
0x104: {  	v3 =	vld.idx.msk [tilespmem:v2+s31+$0x0], $0xffff;
	v2 =	vpop (erf)  }
0x105: {  	v0 =	vimm.s32 $0x24924924;
	vm2 =	vcmask $0x1714;
	vm3 =	vcmask $0xB08  }
0x106: {  	vm4 =	vcmask $0x33C;
	v5 =	vimm.s32 $0x0;
	v6 =	vimm.f32 $0.0e+00  }
0x107: {  	v0 =	vunpack.c.l.s2.s4 v0;
	vm2 =	vmor vm3, vm2;
	vm3 =	vcmask $0x2320  }
0x108: {  	v7 =	vimm.f32 $0.0e+00;
	vm2 =	vmor vm2, vm3;
	vm3 =	vcmask $0x2F2C  }
0x109: {  	v0 =	vunpack.c.l.s4.s8 v0;
	vm2 =	vmor vm2, vm3;
	vm3 =	vcmask $0xF0C  }
0x10a: {  	vm1 =	vmor vm2, vm1;
	vm2 =	vmor vm4, vm3;
	vm4 =	vcmask $0x1B18  }
0x10b: {  	v0 =	vunpack.c.0.s8.s32 v0;
	vm2 =	vmor vm2, vm4;
	vm4 =	vcmask $0x2724  }
0x10c: {  	v8 =	vimm.s32 $0x0;
	vm2 =	vmor vm2, vm4;
	vm4 =	vcmask $0x3330  }
0x10d: {  	vm3 =	vmmov $0x7fff;
	v0 =	vand.u32 $0x3, v0;
	vm2 =	vmor vm2, vm4  }
0x10e: {  	s6 =	simm.s32 $0x0;
	v4 =	vadd.s32 v0, v3;
	v3 =	vimm.f32 $0.0e+00;
	v0 =	vimm.f32 $0.0e+00  }
.LBB2_18:
0x10f: {  	vm4 =	vlt.s32 v4, $0xC7F  }
0x110: {  	v9 =	vnsel vm4, $0xC7F, v4  }
0x111: {  	v10 =	vmul.u32 $0x3, v9;
	_ =	sdelay $0x1  }
0x112: {  	v13 =	vmul.u32 $0x51F, v9;
	v11 =	vadd.s32 $0x1, v10  }
0x113: {  	v12 =	vadd.s32 $0x2, v10  }
0x114: {  	v13 =	vshrl.u32 v13, $0x13  }
0x115: {  	v13 =	vmul.u32 $0x258, v13  }
0x116: {  	v10 =	vld.idx.msk [tilespmem:v10+s4+$0x0], $0xffff  }
0x117: {  	v9 =	vadd.s32 v9, v13;
	v11 =	vld.idx.msk [tilespmem:v11+s4+$0x0], $0xffff  }
0x118: {  	v12 =	vld.idx.msk [tilespmem:v12+s4+$0x0], $0xffff;
	_ =	sdelay $0x3  }
0x119: {  	v9 =	vld.idx.msk [tilespmem:v9+s6+$0x0], $0xffff;
	v60 =	vmax.f32 v10, v11  }
0x11a: {  	v13 =	vmax.f32 v60, v12  }
0x11b: {  	v10 =	vsub.f32 v10, v13  }
0x11c: {  	v11 =	vsub.f32 v11, v13  }
0x11d: {  	vm4 =	vlt.s32 v4, $0xC80;
	v12 =	vsub.f32 v12, v13;
	v10 =	vmul.f32 $1.442695020e+00, v10  }
0x11e: {  	vm4 =	vmand vm3, vm4;
	vm3 =	vgt.f32 v9, $0.0e+00;
	v11 =	vmul.f32 $1.442695020e+00, v11  }
0x11f: {  	vm5 =	vmand vm4, vm3;
	(erf) = vpow2.f32 v10;
	v10 =	vmul.f32 $1.442695020e+00, v12  }
0x120: {  	vm3 =	vmxor vm4, vm5;
	(erf) = vpow2.f32 v11  }
0x121: {  	(erf) = vpow2.f32 v10;
	v10 =	vsel vm3, $0x3F800000, v6  }
0x122: {  	(xrf0) =	vmax.scan.msk.f32 $0xffff, v10;
	_ =	sdelay $0x5  }
0x123: {  	v62, _, _ =	vpop (xrf0)  }
0x124: {  	(v2sf) =	vpush v62, $0xF  }
0x125: {  	v10 =	vpop (erf)  }
0x126: {  	v11 =	vpop (erf)  }
0x127: {  	v61 =	vadd.f32 v11, v10  }
0x128: {  	v63 =	vpop (erf)  }
0x129: {  	v12 =	vadd.f32 v61, v63;
	_ =	sdelay $0x1  }
0x12a: {  	(erf) = vrcp.f32 v12;
	_ =	sdelay $0x5  }
0x12b: {  	v11 =	vsel vm1, v63, v11;
	_ =	sdelay $0x1  }
0x12c: {  	s7 =	spop (v2sf)  }
0x12d: {  	v10 =	vsel vm2, v10, v11;
	v11 =	vpop (erf);
	p0 =	sgt.f32 s7, $0.0e+00  }
.Ltmp9:
0x12e: {  	v10 =	vmul.f32 v11, v10;
	(pc) =	sbr.rel @p0 .LBB2_18-.Ltmp9, $4  }
0x12f: {  	_ = 	snop  }
0x130: {  	v11 =	vadd.f32 $1.000000000e+00, v7;
	v10 =	vadd.f32 v10, v0  }
0x131: {  	v5 =	vsel vm5, v4, v5;
	v3 =	vsel vm5, v9, v3;
	v8 =	vsel vm5, $0x1, v8  }
0x132: {  	v4 =	vadd.s32 $0x3, v4;
	v7 =	vsel vm4, v11, v7;
	v0 =	vsel vm4, v10, v0  }
.Ltmp10:
0x133: {  	(pc) =	sbr.rel .LBB2_20-.Ltmp10, $2  }
0x134: {  	_ =	sdelay $0x2  }
0x135: {  	v4 =	vmax.f32 v7, $1.000000000e+00;
	vm2 =	vlt.s32 v5, $0xAB9;
	vm1 =	veq.s32 v8, $0x0  }
.LBB2_16:
0x136: {  	vm1 =	vmmov $0xffff  }
0x137: {  	v4 =	vimm.f32 $1.000000000e+00;
	v3 =	vimm.f32 $0.0e+00;
	vm2 =	vmmov vm1  }
.LBB2_20:
0x138: {  	v5 =	vimm.s32 $0x94939291;
	v6 =	vimm.s32 $0xA1A09695  }
0x139: {  	v7 =	vimm.s32 $0x83828180;
	v8 =	vimm.s32 $0x90868584;
	v5 =	vunpack.c.0.s8.s32 v5  }
0x13a: {  	v6 =	vunpack.c.0.s8.s32 v6;
	v7 =	vunpack.c.0.s8.s32 v7;
	v8 =	vunpack.c.0.s8.s32 v8;
	_ =	sdelay $0x1  }
0x13b: {  	v5 =	vsel vm0, v6, v5;
	v38 =	vsel vm0, v8, v7  }
0x13c: {  	v5 =	vcombine.low v38, v5;
	_ =	sdelay $0x1  }
0x13d: {  	v5 =	vand.u32 $0xFF, v5;
	_ =	sdelay $0x4  }
0x13e: {  	v5 =	vld.idx.msk [tilespmem:v5+s5+$0x0], $0xffff;
	_ =	sdelay $0x4  }
0x13f: {  	v5 =	vsub.f32 $0.0e+00, v5;
	_ =	sdelay $0x1  }
0x140: {  	v5 =	vmul.f32 $1.442695020e+00, v5;
	_ =	sdelay $0x1  }
0x141: {  	(erf) = vpow2.f32 v5;
	_ =	sdelay $0x8  }
0x142: {  	v5 =	vpop (erf)  }
0x143: {  	v5 =	vadd.f32 $1.000000000e+00, v5;
	_ =	sdelay $0x1  }
0x144: {  	(erf) = vrcp.f32 v5;
	_ =	sdelay $0x8  }
0x145: {  	v5 =	vpop (erf)  }
0x146: {  	v5 =	vadd.f32 $9.999999710e-10, v5;
	_ =	sdelay $0x1  }
0x147: {  	v39 =	vcvt.s32.f32 v5;
	_ =	sdelay $0x1  }
0x148: {  	v6 =	vmul.f32 $1.192092900e-07, v39;
	_ =	sdelay $0x1  }
0x149: {  	v6 =	vadd.f32 $-1.270450520e+02, v6;
	_ =	sdelay $0x1  }
0x14a: {  	v6 =	vmul.f32 $6.931471820e-01, v6;
	_ =	sdelay $0x1  }
0x14b: {  	v40 =	vsub.f32 $0.0e+00, v6;
	_ =	sdelay $0x1  }
0x14c: {  	v7 =	vmul.f32 $1.442695020e+00, v40;
	_ =	sdelay $0x1  }
0x14d: {  	(erf) = vpow2.f32 v7;
	_ =	sdelay $0x8  }
0x14e: {  	v7 =	vpop (erf)  }
0x14f: {  	v7 =	vmul.f32 v7, v5;
	_ =	sdelay $0x1  }
0x150: {  	v6 =	vadd.f32 v7, v6;
	_ =	sdelay $0x1  }
0x151: {  	v6 =	vadd.f32 $-1.000000000e+00, v6;
	_ =	sdelay $0x1  }
0x152: {  	v41 =	vsub.f32 $0.0e+00, v6;
	_ =	sdelay $0x1  }
0x153: {  	v7 =	vmul.f32 $1.442695020e+00, v41;
	_ =	sdelay $0x1  }
0x154: {  	(erf) = vpow2.f32 v7;
	_ =	sdelay $0x8  }
0x155: {  	v7 =	vpop (erf)  }
0x156: {  	v7 =	vmul.f32 v7, v5;
	_ =	sdelay $0x1  }
0x157: {  	v6 =	vadd.f32 v7, v6;
	_ =	sdelay $0x1  }
0x158: {  	v6 =	vadd.f32 $-1.000000000e+00, v6;
	_ =	sdelay $0x1  }
0x159: {  	v42 =	vsub.f32 $0.0e+00, v6;
	_ =	sdelay $0x1  }
0x15a: {  	v7 =	vmul.f32 $1.442695020e+00, v42;
	_ =	sdelay $0x1  }
0x15b: {  	(erf) = vpow2.f32 v7;
	_ =	sdelay $0x8  }
0x15c: {  	v7 =	vpop (erf)  }
0x15d: {  	v7 =	vmul.f32 v7, v5;
	_ =	sdelay $0x1  }
0x15e: {  	v6 =	vadd.f32 v7, v6;
	_ =	sdelay $0x1  }
0x15f: {  	v6 =	vadd.f32 $-1.000000000e+00, v6;
	_ =	sdelay $0x1  }
0x160: {  	v43 =	vsub.f32 $0.0e+00, v6;
	_ =	sdelay $0x1  }
0x161: {  	v3 =	vsub.f32 $0.0e+00, v3;
	v7 =	vmul.f32 $1.442695020e+00, v43;
	_ =	sdelay $0x1  }
0x162: {  	v3 =	vmul.f32 $1.442695020e+00, v3;
	(erf) = vpow2.f32 v7  }
0x163: {  	(erf) = vrcp.f32 v4  }
0x164: {  	(erf) = vpow2.f32 v3;
	_ =	sdelay $0x6  }
0x165: {  	v44 =	vpop (erf)  }
0x166: {  	v4 =	vpop (erf)  }
0x167: {  	v45 =	vpop (erf)  }
0x168: {  	v7 =	vadd.f32 $1.000000000e+00, v45;
	_ =	sdelay $0x1  }
0x169: {  	(erf) = vrcp.f32 v7;
	_ =	sdelay $0x5  }
0x16a: {  	v0 =	vmul.f32 v4, v0  }
0x16b: {  	v2 =	vmul.f32 $5.000000000e-01, v2  }
0x16c: {  	v3 =	vmul.f32 v44, v5;
	v0 =	vmul.f32 $5.000000000e-01, v0  }
0x16d: {  	v46 =	vpop (erf)  }
0x16e: {  	v3 =	vadd.f32 v3, v6;
	v0 =	vadd.f32 v0, v2;
	v4 =	vmul.f32 $5.000000000e-01, v46;
	_ =	sdelay $0x1  }
0x16f: {  	v47 =	vld [tilespmem:$0x46A0];
	v3 =	vadd.f32 $-1.000000000e+00, v3;
	v0 =	vadd.f32 v4, v0  }
0x170: {  	vm9 =	vmmov $0x3fff  }
0x171: {  	vm10 =	vcmask $0x373C;
	v48 =	vnsel vm9, $0x0, v3;
	v4 =	vadd.f32 $-6.000000240e-01, v0  }
0x172: {  	vm11 =	vmmov $0x7fff;
	v2 =	vadd.f32 $-6.000000240e-01, v2;
	v49 =	vsel vm10, $0x0, v3;
	(xrf2) =	vadd.scan.msk.f32 $0xffff, v48  }
0x173: {  	vm12 =	vcmask $0xF14;
	v50 =	vsel vm11, $0x0, v3;
	(xrf2) =	vadd.scan.msk.f32 $0xffff, v49;
	v0 =	vsel vm2, v4, v0  }
0x174: {  	vm8 =	veq.s32 v1, $0xF;
	v51 =	vsel vm12, $0x0, v47;
	(xrf2) =	vadd.scan.msk.f32 $0xffff, v50;
	v0 =	vsel vm1, v2, v0  }
0x175: {  	vm13 =	vcmask $0x1318;
	(xrf2) =	vadd.scan.msk.f32 $0xffff, v51;
	v0 =	vsel vm8, $0xFF800000, v0  }
0x176: {  	v52 =	vsel vm13, $0x0, v47;
	(xrf0) =	vmax.scan.msk.f32 $0xffff, v0  }
0x177: {  	vm14 =	vcmask $0x171C;
	(xrf2) =	vadd.scan.msk.f32 $0xffff, v52  }
0x178: {  	v53 =	vsel vm14, $0x0, v47  }
0x179: {  	vm15 =	vcmask $0x1B20;
	(xrf2) =	vadd.scan.msk.f32 $0xffff, v53  }
0x17a: {  	v54 =	vsel vm15, $0x0, v47  }
0x17b: {  	(xrf2) =	vadd.scan.msk.f32 $0xffff, v54  }
0x17c: {  	v55, _, _ =	vpop (xrf0)  }
0x17d: {  	v56, _, _ =	vpop (xrf2);
	(v2sf) =	vpush v55, $0xF  }
0x17e: {  	v57, _, _ =	vpop (xrf2);
	(v2sf) =	vpush v56, $0xF  }
0x17f: {  	v58, _, _ =	vpop (xrf2);
	(v2sf) =	vpush v57, $0xF  }
0x180: {  	v59, _, _ =	vpop (xrf2);
	(v2sf) =	vpush v58, $0xF  }
0x181: {  	v60, _, _ =	vpop (xrf2);
	(v2sf) =	vpush v59, $0xF  }
0x182: {  	(v2sf) =	vpush v60, $0xF  }
0x183: {  	v61, _, _ =	vpop (xrf2)  }
0x184: {  	(v2sf) =	vpush v61, $0xF  }
0x185: {  	v62, _, _ =	vpop (xrf2)  }
0x186: {  	(v2sf) =	vpush v62, $0xF;
	_ =	sdelay $0x5  }
0x187: {  	s4 =	spop (v2sf)  }
0x188: {  	s24 =	spop (v2sf)  }
0x189: {  	s6 =	spop (v2sf)  }
0x18a: {  	s5 =	smul.f32 $7.142857460e-02, s24;
	s7 =	spop (v2sf)  }
0x18b: {  	s8 =	spop (v2sf)  }
0x18c: {  	s5 =	smul.f32 s8, s5;
	s25 =	spop (v2sf)  }
0x18d: {  	s6 =	smul.f32 s25, s6  }
0x18e: {  	s26 =	spop (v2sf)  }
0x18f: {  	s28 =	smul.f32 s26, s7;
	s5 =	sadd.f32 s6, s5  }
0x190: {  	s4 =	smax.f32 s4, $0.0e+00;
	s29 =	spop (v2sf)  }
0x191: {  	s4 =	smul.f32 s29, s4;
	s5 =	sadd.f32 s5, s28  }
0x192: {  	_ = 	snop  }
0x193: {  	s4 =	sadd.f32 s5, s4;
	_ =	sdelay $0x1  }
0x194: {  	v63 =	vmov s4  }
0x195: {  	v0 =	vadd.f32 $0.0e+00, v63;
	_ =	sdelay $0x1  }
0x196: {  	v0 =	vbroadcast v0, $0x0;
	_ =	sdelay $0x1  }
.Ltmp11:
0x197: {  	s30 =	simm.s32 $0x0;
	s31 =	simm.s32 $0x4800;
	[tilespmem:$0x4800] =	vst v0;
	(pc) =	sbr.rel .LBB2_21-.Ltmp11, $4  }
0x198: {  	[hbm4b:s3+s30] =	stream.linear.scatter [tilespmem:s31], [sflag:$0x2], $0x80, $0x38;
	[tilespmem:$0x4890] =	vst v63  }
0x199: {  	_ =	swait.ge [sflag:s2], $0x80  }
0x19a: {  	[sflag:s2] =	ssyncset.done $0x0  }
0x19b: {  	[sflag:s2] =	ssyncadd.s32 $0xFFFFFF80  }
.LBB2_11:
0x19c: {  	s3 =	simm.s32 $0x0;
	s4 =	simm.s32 $0x4500  }
0x19d: {  	[tilespmem:s4], [sflag:$0x1] =	stream.linear.gather [hbm4b:s6+s3], $0x10, $0x38;
	[tilespmem:$0x4890] =	vst v63  }
0x19e: {  	s25 =	sadd.s32 $0x39C, s8;
	s5 =	simm.s32 $0x4580  }
0x19f: {  	[tilespmem:s5], [sflag:$0x1] =	stream.linear.gather [hbm4b:s25+s3], $0x10, $0x38;
	[tilespmem:$0x4890] =	vst v63  }
0x1a0: {  	s26 =	simm.s32 $0x4480;
	s28 =	simm.s32 $0x1  }
0x1a1: {  	[tilespmem:s26], [sflag:$0x1] =	stream.linear.gather [hbm4b:s7+s3], $0x10, $0x38;
	[tilespmem:$0x4890] =	vst v63  }
0x1a2: {  	_ =	swait.ge [sflag:s28], $0x10  }
0x1a3: {  	[sflag:s28] =	ssyncset.done $0x0  }
0x1a4: {  	[sflag:s28] =	ssyncadd.s32 $0xFFFFFFF0  }
0x1a5: {  	_ =	swait.ge [sflag:s28], $0x10  }
0x1a6: {  	[sflag:s28] =	ssyncset.done $0x0  }
0x1a7: {  	[sflag:s28] =	ssyncadd.s32 $0xFFFFFFF0  }
0x1a8: {  	_ =	swait.ge [sflag:s28], $0x10  }
0x1a9: {  	v0 =	vimm.s32 $0xBA987654;
	[sflag:s28] =	ssyncset.done $0x0  }
0x1aa: {  	v1 =	vimm.s32 $0x32100000;
	v0 =	vunpack.c.l.s4.s8 v0;
	[sflag:s28] =	ssyncadd.s32 $0xFFFFFFF0  }
0x1ab: {  	v1 =	vunpack.c.l.s4.s8 v1;
	v2 =	vld [tilespmem:$0x4500]  }
0x1ac: {  	v0 =	vunpack.c.0.s8.s32 v0;
	v3 =	vld [tilespmem:$0x4580]  }
0x1ad: {  	v1 =	vunpack.c.0.s8.s32 v1  }
0x1ae: {  	v0 =	vand.u32 $0xF, v0  }
0x1af: {  	vm0 =	vmmov $0x7;
	v0 =	vcombine.low v1, v0;
	v61 =	vld [tilespmem:$0x4480]  }
0x1b0: {  	vm12 =	vcmask $0x1328;
	v2 =	vnsel vm0, $0xFF800000, v2  }
0x1b1: {  	v62 =	vsel vm12, $0xFF800000, v3;
	(xrf0) =	vmax.scan.msk.f32 $0xffff, v2  }
0x1b2: {  	(xrf0) =	vmax.scan.msk.f32 $0xffff, v62;
	_ =	sdelay $0x1  }
0x1b3: {  	s29 =	simm.s32 $0x4700;
	[tilespmem:$0x4700] =	vst v61  }
0x1b4: {  	v0 =	vld.idx.msk [tilespmem:v0+s29+$0x0], $0xffff;
	_ =	sdelay $0x1  }
0x1b5: {  	v63, _, _ =	vpop (xrf0)  }
0x1b6: {  	vm13 =	vcmask $0x3F20;
	vm1 =	vcmask $0xF08;
	v2, _, _ =	vpop (xrf0)  }
0x1b7: {  	vm0 =	vmor vm1, vm13;
	v2 =	vbroadcast v2, $0xF  }
0x1b8: {  	vm14 =	vcmask $0x3F08;
	v0 =	vsel vm0, $0x0, v0;
	v1 =	vbroadcast v63, $0xF  }
0x1b9: {  	vm15 =	vcmask $0x3F04;
	v0 =	vsel vm14, v0, v2  }
0x1ba: {  	v0 =	vsel vm15, v0, v1  }
0x1bb: {  	s2 =	sadd.s32 $0xA0, s2;
	s30 =	simm.s32 $0x4780;
	s31 =	simm.s32 $0x2;
	[tilespmem:$0x4780] =	vst v0  }
0x1bc: {  	[spmem:s2] =	stream.linear.scatter [tilespmem:s30], [sflag:$0x2], $0x10, $0x38;
	[tilespmem:$0x4890] =	vst v63  }
.Ltmp12:
0x1bd: {  	_ =	swait.ge [sflag:s31], $0x10;
	(pc) =	sbr.rel .LBB2_21-.Ltmp12, $3  }
0x1be: {  	[sflag:s31] =	ssyncset.done $0x0  }
0x1bf: {  	[sflag:s31] =	ssyncadd.s32 $0xFFFFFFF0  }
0x1c0: {  	[bflag:$0x0] =	sbarrier.arrive $0xFFFF;
	_ =	sdelay $0x1  }
.LBB2_12:
0x1c1: {  	s3 =	sadd.s32 $0x31, s5;
	s4 =	simm.s32 $0x0;
	s6 =	simm.s32 $0x4480  }
0x1c2: {  	[tilespmem:s6], [sflag:$0x1] =	stream.linear.gather [hbm4b:s3+s4], $0x10, $0x38;
	[tilespmem:$0x4890] =	vst v63  }
0x1c3: {  	s21 =	sadd.s32 $0xAE, s5;
	s22 =	simm.s32 $0x4490  }
0x1c4: {  	[tilespmem:s22], [sflag:$0x1] =	stream.linear.gather [hbm4b:s21+s4], $0x10, $0x38;
	[tilespmem:$0x4890] =	vst v63  }
0x1c5: {  	s23 =	sadd.s32 $0x12B, s5;
	s24 =	simm.s32 $0x44A0  }
0x1c6: {  	[tilespmem:s24], [sflag:$0x1] =	stream.linear.gather [hbm4b:s23+s4], $0x10, $0x38;
	[tilespmem:$0x4890] =	vst v63  }
0x1c7: {  	s25 =	sadd.s32 $0x1A8, s5;
	s26 =	simm.s32 $0x44B0  }
0x1c8: {  	[tilespmem:s26], [sflag:$0x1] =	stream.linear.gather [hbm4b:s25+s4], $0x10, $0x38;
	[tilespmem:$0x4890] =	vst v63  }
0x1c9: {  	s28 =	sadd.s32 $0x225, s5;
	s29 =	simm.s32 $0x44C0;
	s30 =	sadd.s32 $0x2A2, s5  }
0x1ca: {  	[tilespmem:s29], [sflag:$0x1] =	stream.linear.gather [hbm4b:s28+s4], $0x10, $0x38;
	[tilespmem:$0x4890] =	vst v63  }
0x1cb: {  	s31 =	simm.s32 $0x44D0;
	s2 =	sadd.s32 $0x80, s2;
	s3 =	sadd.s32 $0x31F, s5  }
0x1cc: {  	[tilespmem:s31], [sflag:$0x1] =	stream.linear.gather [hbm4b:s30+s4], $0x10, $0x38;
	[tilespmem:$0x4890] =	vst v63  }
.LBB2_13:
0x1cd: {  	v0 =	vimm.s32 $0x36261606;
	vm0 =	vcmask $0xF00  }
0x1ce: {  	v1 =	vimm.s32 $0x37271707;
	v2 =	vimm.s32 $0x66665646;
	v3 =	vimm.s32 $0x67675747  }
0x1cf: {  	v4 =	vimm.s32 $0x38281808;
	vm1 =	vcmask $0x1F10;
	v58 =	vimm.s32 $0x68685848  }
0x1d0: {  	v60 =	vimm.s32 $0x39291909;
	v5 =	vimm.s32 $0x69695949;
	v6 =	vimm.s32 $0x3A2A1A0A  }
0x1d1: {  	v0 =	vunpack.c.0.s8.s32 v0;
	v1 =	vunpack.c.0.s8.s32 v1;
	v4 =	vunpack.c.0.s8.s32 v4  }
0x1d2: {  	v7 =	vimm.s32 $0x6A6A5A4A;
	v2 =	vunpack.c.0.s8.s32 v2;
	v3 =	vunpack.c.0.s8.s32 v3  }
0x1d3: {  	v0 =	vnsel vm0, $0x66, v0;
	v1 =	vnsel vm0, $0x67, v1;
	v59 =	vnsel vm0, $0x68, v4  }
0x1d4: {  	s4 =	simm.s32 $0x0;
	s5 =	simm.s32 $0x44E0;
	s28 =	simm.s32 $0x1;
	v4 =	vunpack.c.0.s8.s32 v60;
	v0 =	vsel vm1, v2, v0;
	v2 =	vunpack.c.0.s8.s32 v58  }
0x1d5: {  	[tilespmem:s5], [sflag:$0x1] =	stream.linear.gather [hbm4b:s3+s4], $0x10, $0x38;
	v5 =	vunpack.c.0.s8.s32 v5;
	v6 =	vunpack.c.0.s8.s32 v6;
	v1 =	vsel vm1, v3, v1;
	[tilespmem:$0x4890] =	vst v63  }
0x1d6: {  	v62 =	vunpack.c.0.s8.s32 v7;
	_ =	swait.ge [sflag:s28], $0x70;
	v61 =	vnsel vm0, $0x69, v4;
	v2 =	vsel vm1, v2, v59  }
0x1d7: {  	v63 =	vnsel vm0, $0x6A, v6;
	[sflag:s28] =	ssyncset.done $0x0;
	v3 =	vsel vm1, v5, v61  }
0x1d8: {  	s29 =	simm.s32 $0x4480;
	[sflag:s28] =	ssyncadd.s32 $0xFFFFFF90;
	v4 =	vsel vm1, v62, v63  }
0x1d9: {  	v0 =	vld.idx.msk [tilespmem:v0+s29+$0x0], $0xffff  }
0x1da: {  	v1 =	vld.idx.msk [tilespmem:v1+s29+$0x0], $0xffff  }
0x1db: {  	v2 =	vld.idx.msk [tilespmem:v2+s29+$0x0], $0xffff  }
0x1dc: {  	v3 =	vld.idx.msk [tilespmem:v3+s29+$0x0], $0xffff  }
0x1dd: {  	v4 =	vld.idx.msk [tilespmem:v4+s29+$0x0], $0xffff;
	_ =	sdelay $0x1  }
0x1de: {  	v0 =	vmax.f32 v0, v1  }
0x1df: {  	v0 =	vmax.f32 v0, v2  }
0x1e0: {  	v0 =	vmax.f32 v0, v3  }
0x1e1: {  	vm15 =	vmmov $0x7f;
	v0 =	vmax.f32 v0, v4  }
0x1e2: {  	v0 =	vnsel vm15, $0x0, v0  }
0x1e3: {  	s30 =	simm.s32 $0x4780;
	s31 =	simm.s32 $0x2;
	[tilespmem:$0x4780] =	vst v0  }
0x1e4: {  	[spmem:s2] =	stream.linear.scatter [tilespmem:s30], [sflag:$0x2], $0x10, $0x38;
	[tilespmem:$0x4890] =	vst v63  }
0x1e5: {  	_ =	swait.ge [sflag:s31], $0x10  }
0x1e6: {  	[sflag:s31] =	ssyncset.done $0x0  }
0x1e7: {  	[sflag:s31] =	ssyncadd.s32 $0xFFFFFFF0  }
.LBB2_14:
0x1e8: {  	[bflag:$0x0] =	sbarrier.arrive $0xFFFF  }
.LBB2_21:
0x1e9: {  	_ =	sfence.sel $0x180000  }
0x1ea: {  	[bflag:$0x0] =	sbarrier.arrive $0xFFFF  }
0x1eb: {  	p0 =	sne.s32 s1, $0x0;
	_ =	strace $0x90000047  }
0x1ec: {  	s0 =	sadd.s32 @!p0 $0x100000, s0;
	[bflag:$0x2] =	sbarrier.arrive $0xFFFF  }
0x1ed: {  	[sflag:s0] =	ssyncadd.tile.s32 @!p0 $0x1;
	_ =	shalt  }
.Lfunc_end2:
_tile_overlayer_lowered:
.L_overlay_start_2:
0x1ee: {  	(tag) =	ssettag $0x2  }
0x1ef: {  	s0 =	rddreg [dreg:$0x0];
	s2 =	stileid.u32  }
0x1f0: {  	s1 =	rddreg [dreg:$0x1];
	p0 =	sne.s32 s2, $0x0  }
0x1f1: {  	s3 =	rddreg [dreg:$0x2];
	[bflag:$0x3] =	sbarrier.arrive $0xFFFF;
	s2 =	simm.s32 @!p0 $0x1C02  }
0x1f2: {  	[timem:s3], [sflag:s2] =	dma.local @!p0 [hbm:s0], s1  }
0x1f3: {  	s0 =	simm.s32 @!p0 $0x2  }
0x1f4: {  	_ =	swait.ge @!p0 [sflag:s0], s1  }
0x1f5: {  	s1 =	ssub.s32 @!p0 $0x0, s1;
	[sflag:s0] =	ssyncset.done @!p0 $0x0  }
0x1f6: {  	[sflag:s0] =	ssyncadd.s32 @!p0 s1  }
0x1f7: {  	[bflag:$0x3] =	sbarrier.arrive $0xFFFF  }
0x1f8: {  	_ =	shalt  }

</sc_bundles>
